<compile_context>
chip_gen: v7x
topology: tpu7x:2x2x1
jax: 0.10.2.dev20260603
libtpu: 0.0.44.dev20260713+nightly
codegen_flags: <defaults>
</compile_context>

<pallas_src>
import functools

import jax
import jax.numpy as jnp
from jax import lax
from jax.experimental import pallas as pl
from jax.experimental.pallas import tpu as pltpu
from jax.experimental.pallas import tpu_sc as plsc

_N, _E, _F, _H, _G, _C = 10000, 320000, 128, 64, 64, 10
_NC, _NS = 2, 16
_NW = _NC * _NS
_EPW = _E // _NW
_K = 80
_NCHUNK = _EPW // _K
_NPAD = 10240
_RPT = _NPAD // _NS
_ZR = 128



@functools.partial(
    pl.kernel,
    mesh=plsc.VectorSubcoreMesh(core_axis_name="c", subcore_axis_name="s"),
    out_type=jax.ShapeDtypeStruct((_NC, _NPAD, _H), jnp.float32),
    compiler_params=pltpu.CompilerParams(use_tc_tiling_on_sc=False),
    scratch_types=[
        pltpu.VMEM((_NCHUNK, _K), jnp.int32),
        pltpu.VMEM((_NCHUNK, _K), jnp.int32),
        pltpu.VMEM((_K, _H), jnp.float32),
        pltpu.VMEM((_K, _H), jnp.float32),
        pltpu.VMEM((_K, _H), jnp.float32),
        pltpu.VMEM((_K, _H), jnp.float32),
        pltpu.VMEM((_ZR, _H), jnp.float32),
        pltpu.VMEM_SHARED((_NPAD, _H), jnp.float32),
        pltpu.VMEM_SHARED((_NPAD, _H), jnp.float32),
        pltpu.SemaphoreType.DMA, pltpu.SemaphoreType.DMA,
        pltpu.SemaphoreType.DMA, pltpu.SemaphoreType.DMA,
        pltpu.SemaphoreType.DMA, pltpu.SemaphoreType.DMA,
        pltpu.SemaphoreType.DMA, pltpu.SemaphoreType.DMA,
    ],
)
def _edge_scatter(y_hbm, ei_hbm, out_hbm,
                  src_v, dst_v, rows0, rows1, rows2, rows3,
                  zbuf, acc, ytab,
                  gsem0, gsem1, gsem2, gsem3,
                  ssem0, ssem1, ssem2, ssem3):
    c = lax.axis_index("c")
    s = lax.axis_index("s")
    wid = c * _NS + s

    zero16 = jnp.zeros((16,), jnp.float32)

    def zrow(r, carry):
        for c4 in range(_H // 16):
            zbuf[r, pl.ds(c4 * 16, 16)] = zero16
        return carry

    pltpu.sync_copy(y_hbm.at[pl.ds(s * _RPT, _RPT)],
                    ytab.at[pl.ds(s * _RPT, _RPT)])

    lax.fori_loop(0, _ZR, zrow, 0)
    for b in range(_RPT // _ZR):
        pltpu.sync_copy(zbuf, acc.at[pl.ds(s * _RPT + b * _ZR, _ZR)])
    plsc.subcore_barrier()

    pltpu.sync_copy(ei_hbm.at[0, wid], src_v)
    pltpu.sync_copy(ei_hbm.at[1, wid], dst_v)

    rows = (rows0, rows1, rows2, rows3)
    gsems = (gsem0, gsem1, gsem2, gsem3)
    ssems = (ssem0, ssem1, ssem2, ssem3)

    def gather_start(j, b):
        pltpu.async_copy(ytab.at[src_v.at[j]], rows[b], gsems[b])

    def gather_wait(j, b):
        pltpu.make_async_copy(ytab.at[src_v.at[j]], rows[b], gsems[b]).wait()

    def scatter_start(j, b):
        pltpu.async_copy(rows[b], acc.at[dst_v.at[j]], ssems[b], add=True)

    def scatter_wait(j, b):
        pltpu.make_async_copy(rows[b], acc.at[dst_v.at[j]], ssems[b]).wait()

    def do_chunk(j, b, first, last):
        b2 = (b + 2) % 4
        if not first:
            scatter_wait(j - 2, b2)
        if not last:
            gather_start(j + 2, b2)
        gather_wait(j, b)
        scatter_start(j, b)

    for j in range(2):
        gather_start(j, j)
    for j in range(4):
        do_chunk(j, j, first=(j < 2), last=False)

    def body4(g, carry):
        j0 = g * 4
        for b in range(4):
            do_chunk(j0 + b, b, first=False, last=False)
        return carry

    lax.fori_loop(1, (_NCHUNK - 5) // 4, body4, 0)
    for j in range(_NCHUNK - 5, _NCHUNK):
        do_chunk(j, j % 4, first=False, last=(j + 2 >= _NCHUNK))
    for j in range(_NCHUNK - 2, _NCHUNK):
        scatter_wait(j, j % 4)
    plsc.subcore_barrier()

    pltpu.sync_copy(acc.at[pl.ds(s * _RPT, _RPT)],
                    out_hbm.at[c, pl.ds(s * _RPT, _RPT)])



_NP2 = _NPAD // 2
_NR2 = _N // 2


def _bn_relu2(hL, hR, g, t):
    sm = jnp.sum(hL, 0, keepdims=True) + jnp.sum(hR, 0, keepdims=True)
    m = sm / _N
    s2 = (jnp.sum(hL * hL, 0, keepdims=True)
          + jnp.sum(hR * hR, 0, keepdims=True))
    v = s2 / _N - m * m
    inv = g / jnp.sqrt(v + 1e-5)
    fL = jnp.maximum((hL - m) * inv + t, 0.0)
    fR = jnp.maximum((hR - m) * inv + t, 0.0)
    return fL, fR


def _mm_body(x_ref, w_ref, o_ref):
    yL = jnp.dot(x_ref[:, :_F], w_ref[...], preferred_element_type=jnp.float32)
    yR = jnp.dot(x_ref[:, _F:], w_ref[...], preferred_element_type=jnp.float32)
    o_ref[:_NR2] = jnp.concatenate([yL, yR], axis=1)
    o_ref[_NR2:] = jnp.zeros((_NP2 - _NR2, 2 * _H), jnp.float32)


def _mlp_core(y_ref, p_ref, ba, ga, ta, Wb_ref, bb, gb, tb):
    pre = y_ref[:_NR2] + p_ref[0, :_NR2] + p_ref[1, :_NR2]
    hL, hR = _bn_relu2(pre[:, :_H] + ba, pre[:, _H:] + ba, ga, ta)
    zL = jnp.dot(hL, Wb_ref[...], preferred_element_type=jnp.float32) + bb
    zR = jnp.dot(hR, Wb_ref[...], preferred_element_type=jnp.float32) + bb
    return _bn_relu2(zL, zR, gb, tb)


def _mlp_body(y_ref, p_ref, ba_ref, ga_ref, ta_ref,
              Wb_ref, bb_ref, gb_ref, tb_ref, Wnext_ref, o_ref):
    hL, hR = _mlp_core(y_ref, p_ref, ba_ref[...], ga_ref[...], ta_ref[...],
                       Wb_ref, bb_ref[...], gb_ref[...], tb_ref[...])
    yL = jnp.dot(hL, Wnext_ref[...], preferred_element_type=jnp.float32)
    yR = jnp.dot(hR, Wnext_ref[...], preferred_element_type=jnp.float32)
    o_ref[:_NR2] = jnp.concatenate([yL, yR], axis=1)
    o_ref[_NR2:] = jnp.zeros((_NP2 - _NR2, 2 * _H), jnp.float32)


def _tail_body(y_ref, q_ref, bE_ref, bO_ref, ba_ref, ga_ref, ta_ref,
               Wb_ref, bb_ref, gb_ref, tb_ref,
               Wc1_ref, bc1_ref, gc1_ref, tc1_ref, Wc2_ref, bc2_ref, o_ref):
    hL, hR = _mlp_core(y_ref, q_ref, ba_ref[...], ga_ref[...], ta_ref[...],
                       Wb_ref, bb_ref[...], gb_ref[...], tb_ref[...])
    gids = lax.broadcasted_iota(jnp.int32, (_G, _NR2), 0)
    ohE = (gids == bE_ref[...]).astype(jnp.float32)
    ohO = (gids == bO_ref[...]).astype(jnp.float32)
    sums = (jnp.dot(ohE, hL, preferred_element_type=jnp.float32)
            + jnp.dot(ohO, hR, preferred_element_type=jnp.float32))
    cnt = (jnp.sum(ohE, axis=1, keepdims=True)
           + jnp.sum(ohO, axis=1, keepdims=True))
    hm = sums / jnp.maximum(cnt, 1.0)
    z = jnp.dot(hm, Wc1_ref[...], preferred_element_type=jnp.float32) + bc1_ref[...]
    m = jnp.mean(z, axis=0, keepdims=True)
    v = jnp.mean((z - m) * (z - m), axis=0, keepdims=True)
    z = jnp.maximum((z - m) / jnp.sqrt(v + 1e-5) * gc1_ref[...] + tc1_ref[...], 0.0)
    z = jnp.dot(z, Wc2_ref[...], preferred_element_type=jnp.float32) + bc2_ref[...]
    zmax = jnp.max(z, axis=1, keepdims=True)
    zs = z - zmax
    o_ref[...] = zs - jnp.log(jnp.sum(jnp.exp(zs), axis=1, keepdims=True))


_mm = pl.pallas_call(
    _mm_body, out_shape=jax.ShapeDtypeStruct((_NP2, 2 * _H), jnp.float32))

_mlp = pl.pallas_call(
    _mlp_body, out_shape=jax.ShapeDtypeStruct((_NP2, 2 * _H), jnp.float32))

_tail = pl.pallas_call(
    _tail_body, out_shape=jax.ShapeDtypeStruct((_G, _C), jnp.float32))


def kernel(x, edge_index, batch, W1a, b1a, g1a, t1a, W1b, b1b, g1b, t1b,
           W2a, b2a, g2a, t2a, W2b, b2b, g2b, t2b,
           Wc1, bc1, gc1, tc1, Wc2, bc2):
    r = lambda v: v.reshape(1, -1)

    ei4 = edge_index.reshape(2, _NW, _NCHUNK, _K)
    xp = x.reshape(_NR2, 2 * _F)
    bpair = batch.reshape(_NR2, 2)
    bE = bpair[:, 0].reshape(1, _NR2)
    bO = bpair[:, 1].reshape(1, _NR2)

    tosc = lambda v: v.reshape(_NPAD, _H)
    topair = lambda v: v.reshape(_NC, _NP2, 2 * _H)

    es = jax.jit(_edge_scatter)
    y1 = _mm(xp, W1a)
    p = es(tosc(y1), ei4)
    y2 = _mlp(y1, topair(p), r(b1a), r(g1a), r(t1a),
              W1b, r(b1b), r(g1b), r(t1b), W2a)
    q = es(tosc(y2), ei4)
    return _tail(y2, topair(q), bE, bO, r(b2a), r(g2a), r(t2a),
                 W2b, r(b2b), r(g2b), r(t2b),
                 Wc1, r(bc1), r(gc1), r(tc1), Wc2, r(bc2))

# --- scband reference (transcript-rebuilt; emitter-appended) ---
"""Pipeline reference for scband-ginclassifier-33346126086713 (READ-ONLY COPY).

The authoritative reference and input builder live on the scoring server;
editing this copy changes nothing except your own understanding.
"""

import jax, jax.numpy as jnp
import numpy as np

N = 10000
E = 320000
F = 128
H = 64
C = 10
G = 64


def _bn(h, g, b):
    m = jnp.mean(h, axis=0)
    v = jnp.var(h, axis=0)
    return (h - m) / jnp.sqrt(v + 1e-5) * g + b


def _mlp(h, Wa, ba, ga, ta, Wb, bb, gb, tb):
    h = _bn(h @ Wa + ba, ga, ta)
    h = jax.nn.relu(h)
    h = _bn(h @ Wb + bb, gb, tb)
    h = jax.nn.relu(h)
    return h


def setup_inputs(seed: int = 0):
    key = jax.random.key(seed)
    ks = jax.random.split(key, 32)
    d = {}
    d['x'] = jax.random.normal(ks[0], (N, F), jnp.float32)
    d['edge_index'] = jax.random.randint(ks[1], (2, E), 0, N, jnp.int32)
    d['batch'] = jnp.sort(jax.random.randint(ks[2], (N,), 0, G, jnp.int32))

    def lin(k, fi, fo):
        lim = 1.0 / np.sqrt(fi)
        return jax.random.uniform(k, (fi, fo), jnp.float32, -lim, lim)

    def vec(k, fi, n):
        lim = 1.0 / np.sqrt(fi)
        return jax.random.uniform(k, (n,), jnp.float32, -lim, lim)

    # GINConv mlp1
    d['W1a'] = lin(ks[3], F, H); d['b1a'] = vec(ks[4], F, H)
    d['g1a'] = jnp.ones((H,), jnp.float32); d['t1a'] = jnp.zeros((H,), jnp.float32)
    d['W1b'] = lin(ks[5], H, H); d['b1b'] = vec(ks[6], H, H)
    d['g1b'] = jnp.ones((H,), jnp.float32); d['t1b'] = jnp.zeros((H,), jnp.float32)
    # GINConv mlp2
    d['W2a'] = lin(ks[7], H, H); d['b2a'] = vec(ks[8], H, H)
    d['g2a'] = jnp.ones((H,), jnp.float32); d['t2a'] = jnp.zeros((H,), jnp.float32)
    d['W2b'] = lin(ks[9], H, H); d['b2b'] = vec(ks[10], H, H)
    d['g2b'] = jnp.ones((H,), jnp.float32); d['t2b'] = jnp.zeros((H,), jnp.float32)
    # classifier
    d['Wc1'] = lin(ks[11], H, H); d['bc1'] = vec(ks[12], H, H)
    d['gc1'] = jnp.ones((H,), jnp.float32); d['tc1'] = jnp.zeros((H,), jnp.float32)
    d['Wc2'] = lin(ks[13], H, C); d['bc2'] = vec(ks[14], H, C)
    return d


def reference(x, edge_index, batch, W1a, b1a, g1a, t1a, W1b, b1b, g1b, t1b,
              W2a, b2a, g2a, t2a, W2b, b2b, g2b, t2b,
              Wc1, bc1, gc1, tc1, Wc2, bc2):
    src = edge_index[0]
    dst = edge_index[1]
    # GINConv layer 1: h = mlp1((1+eps)*x + sum_{j in N(i)} x_j), eps=0
    agg = jnp.zeros_like(x).at[dst].add(x[src])
    h = _mlp(x + agg, W1a, b1a, g1a, t1a, W1b, b1b, g1b, t1b)
    h = jax.nn.relu(h)
    # GINConv layer 2
    agg2 = jnp.zeros_like(h).at[dst].add(h[src])
    h = _mlp(h + agg2, W2a, b2a, g2a, t2a, W2b, b2b, g2b, t2b)
    h = jax.nn.relu(h)
    # global mean pool over graphs
    sums = jax.ops.segment_sum(h, batch, num_segments=G)
    cnt = jax.ops.segment_sum(jnp.ones((N,), jnp.float32), batch, num_segments=G)
    hm = sums / jnp.maximum(cnt, 1.0)[:, None]
    # classifier (dropout is identity in eval)
    z = _bn(hm @ Wc1 + bc1, gc1, tc1)
    z = jax.nn.relu(z)
    z = z @ Wc2 + bc2
    return jax.nn.log_softmax(z, axis=1)

if __name__ == "__main__":
    import jax
    _d = setup_inputs()
    print(jax.jit(kernel)(*tuple(_d.values())))

</pallas_src>

<mosaic_0001>
#map = affine_map<(d0, d1) -> (0, 0)>
#map1 = affine_map<(d0, d1) -> (0, 0, 0, 0)>
#map2 = affine_map<(d0, d1) -> (0, 0, 0)>
module attributes {stable_mosaic.version = 14 : i64} {
  func.func @_edge_scatter(%arg0: i32, %arg1: i32, %arg2: memref<10240x64xf32, #tpu.memory_space<hbm>>, %arg3: memref<2x32x125x80xi32, #tpu.memory_space<hbm>>, %arg4: memref<2x10240x64xf32, #tpu.memory_space<hbm>>, %arg5: memref<125x80xi32, #tpu.memory_space<vmem>>, %arg6: memref<125x80xi32, #tpu.memory_space<vmem>>, %arg7: memref<80x64xf32, #tpu.memory_space<vmem>>, %arg8: memref<80x64xf32, #tpu.memory_space<vmem>>, %arg9: memref<80x64xf32, #tpu.memory_space<vmem>>, %arg10: memref<80x64xf32, #tpu.memory_space<vmem>>, %arg11: memref<128x64xf32, #tpu.memory_space<vmem>>, %arg12: memref<10240x64xf32, #tpu.memory_space<vmem_shared>>, %arg13: memref<10240x64xf32, #tpu.memory_space<vmem_shared>>, %arg14: memref<!tpu.dma_semaphore, #tpu.memory_space<semaphore_mem>>, %arg15: memref<!tpu.dma_semaphore, #tpu.memory_space<semaphore_mem>>, %arg16: memref<!tpu.dma_semaphore, #tpu.memory_space<semaphore_mem>>, %arg17: memref<!tpu.dma_semaphore, #tpu.memory_space<semaphore_mem>>, %arg18: memref<!tpu.dma_semaphore, #tpu.memory_space<semaphore_mem>>, %arg19: memref<!tpu.dma_semaphore, #tpu.memory_space<semaphore_mem>>, %arg20: memref<!tpu.dma_semaphore, #tpu.memory_space<semaphore_mem>>, %arg21: memref<!tpu.dma_semaphore, #tpu.memory_space<semaphore_mem>>) attributes {dimension_semantics = [#tpu.dimension_semantics<core_parallel>, #tpu.dimension_semantics<subcore_parallel>], iteration_bounds = array<i64: 2, 16>, scalar_prefetch = 0 : i64, scratch_operands = 17 : i64, tpu.core_type = #tpu.core_type<sc_vector_subcore>, window_params = [{transform_indices = #map}, {transform_indices = #map1}, {transform_indices = #map2}]} {
    %mul3A = arith.constant 16 : i32
    %mul3A_0 = arith.muli %arg0, %mul3A : i32
    %add3A = arith.addi %mul3A_0, %arg1 : i32
    %broadcast_in_dim3A = arith.constant 0.000000e+00 : f32
    %broadcast_in_dim3A_1 = vector.broadcast %broadcast_in_dim3A : f32 to vector<16xf32>
    %mul3A_2 = arith.constant 640 : i32
    %mul3A_3 = arith.muli %arg1, %mul3A_2 : i32
    %mul3A_4 = arith.constant 640 : i32
    %mul3A_5 = arith.muli %arg1, %mul3A_4 : i32
    "tpu.region"() ({
      %run_scoped3A_293 = tpu.sem_alloc : memref<!tpu.dma_semaphore, #tpu.memory_space<semaphore_mem>>
      %dma_start3A_294 = arith.constant 0 : i32
      %dma_start3A_295 = tpu.memref_slice %arg13[%mul3A_5, %dma_start3A_294] : memref<10240x64xf32, #tpu.memory_space<vmem_shared>> -> memref<640x64xf32, #tpu.memory_space<vmem_shared>>
      %dma_start3A_296 = arith.constant 0 : i32
      %dma_start3A_297 = tpu.memref_slice %arg2[%mul3A_3, %dma_start3A_296] : memref<10240x64xf32, #tpu.memory_space<hbm>> -> memref<640x64xf32, #tpu.memory_space<hbm>>
      tpu.enqueue_dma source(%dma_start3A_297 : memref<640x64xf32, #tpu.memory_space<hbm>>) target(%dma_start3A_295 : memref<640x64xf32, #tpu.memory_space<vmem_shared>>) target_semaphore(%run_scoped3A_293 : memref<!tpu.dma_semaphore, #tpu.memory_space<semaphore_mem>>)
      %dma_wait3A_298 = arith.constant 0 : i32
      %dma_wait3A_299 = tpu.memref_slice %arg13[%mul3A_5, %dma_wait3A_298] : memref<10240x64xf32, #tpu.memory_space<vmem_shared>> -> memref<640x64xf32, #tpu.memory_space<vmem_shared>>
      %dma_wait3A_300 = arith.constant 0 : i32
      %dma_wait3A_301 = tpu.memref_slice %arg2[%mul3A_3, %dma_wait3A_300] : memref<10240x64xf32, #tpu.memory_space<hbm>> -> memref<640x64xf32, #tpu.memory_space<hbm>>
      tpu.wait_dma2 semaphore(%run_scoped3A_293 : memref<!tpu.dma_semaphore, #tpu.memory_space<semaphore_mem>>) src(%dma_wait3A_301 : memref<640x64xf32, #tpu.memory_space<hbm>>) dst(%dma_wait3A_299 : memref<640x64xf32, #tpu.memory_space<vmem_shared>>)
      tpu.yield
    }) : () -> ()
    %scan3A = arith.constant 0 : i32
    %scan3A_6 = arith.constant 0 : i32
    %scan3A_7 = arith.constant 128 : i32
    %scan3A_8 = arith.addi %scan3A_6, %scan3A_7 : i32
    %scan3A_9 = arith.constant 1 : i32
    scf.for %scan3A_293 = %scan3A_6 to %scan3A_8 step %scan3A_9  : i32 {
      %swap3A = arith.index_cast %scan3A_293 : i32 to index
      %swap3A_294 = arith.constant 0 : index
      %swap3A_295 = tpu.vector_load %arg11[%swap3A, %swap3A_294] {strides = array<i32>} : memref<128x64xf32, #tpu.memory_space<vmem>>, vector<1x16xf32>,
      %swap3A_296 = vector.shape_cast %swap3A_295 : vector<1x16xf32> to vector<16xf32>
      %swap3A_297 = vector.shape_cast %broadcast_in_dim3A_1 : vector<16xf32> to vector<1x16xf32>
      tpu.vector_store %arg11[%swap3A, %swap3A_294], %swap3A_297 {strides = array<i32>} : memref<128x64xf32, #tpu.memory_space<vmem>>, vector<1x16xf32>,
      %swap3A_298 = arith.index_cast %scan3A_293 : i32 to index
      %swap3A_299 = arith.constant 16 : index
      %swap3A_300 = tpu.vector_load %arg11[%swap3A_298, %swap3A_299] {strides = array<i32>} : memref<128x64xf32, #tpu.memory_space<vmem>>, vector<1x16xf32>,
      %swap3A_301 = vector.shape_cast %swap3A_300 : vector<1x16xf32> to vector<16xf32>
      %swap3A_302 = vector.shape_cast %broadcast_in_dim3A_1 : vector<16xf32> to vector<1x16xf32>
      tpu.vector_store %arg11[%swap3A_298, %swap3A_299], %swap3A_302 {strides = array<i32>} : memref<128x64xf32, #tpu.memory_space<vmem>>, vector<1x16xf32>,
      %swap3A_303 = arith.index_cast %scan3A_293 : i32 to index
      %swap3A_304 = arith.constant 32 : index
      %swap3A_305 = tpu.vector_load %arg11[%swap3A_303, %swap3A_304] {strides = array<i32>} : memref<128x64xf32, #tpu.memory_space<vmem>>, vector<1x16xf32>,
      %swap3A_306 = vector.shape_cast %swap3A_305 : vector<1x16xf32> to vector<16xf32>
      %swap3A_307 = vector.shape_cast %broadcast_in_dim3A_1 : vector<16xf32> to vector<1x16xf32>
      tpu.vector_store %arg11[%swap3A_303, %swap3A_304], %swap3A_307 {strides = array<i32>} : memref<128x64xf32, #tpu.memory_space<vmem>>, vector<1x16xf32>,
      %swap3A_308 = arith.index_cast %scan3A_293 : i32 to index
      %swap3A_309 = arith.constant 48 : index
      %swap3A_310 = tpu.vector_load %arg11[%swap3A_308, %swap3A_309] {strides = array<i32>} : memref<128x64xf32, #tpu.memory_space<vmem>>, vector<1x16xf32>,
      %swap3A_311 = vector.shape_cast %swap3A_310 : vector<1x16xf32> to vector<16xf32>
      %swap3A_312 = vector.shape_cast %broadcast_in_dim3A_1 : vector<16xf32> to vector<1x16xf32>
      tpu.vector_store %arg11[%swap3A_308, %swap3A_309], %swap3A_312 {strides = array<i32>} : memref<128x64xf32, #tpu.memory_space<vmem>>, vector<1x16xf32>,
    }
    %scan3A_10 = arith.constant 128 : i32
    %mul3A_11 = arith.constant 640 : i32
    %mul3A_12 = arith.muli %arg1, %mul3A_11 : i32
    %add3A_13 = arith.constant 0 : i32
    %add3A_14 = arith.addi %mul3A_12, %add3A_13 : i32
    "tpu.region"() ({
      %run_scoped3A_293 = tpu.sem_alloc : memref<!tpu.dma_semaphore, #tpu.memory_space<semaphore_mem>>
      %dma_start3A_294 = arith.constant 0 : i32
      %dma_start3A_295 = tpu.memref_slice %arg12[%add3A_14, %dma_start3A_294] : memref<10240x64xf32, #tpu.memory_space<vmem_shared>> -> memref<128x64xf32, #tpu.memory_space<vmem_shared>>
      %dma_start3A_296 = arith.constant 0 : i32
      %dma_start3A_297 = tpu.memref_slice %arg12[%add3A_14, %dma_start3A_296] : memref<10240x64xf32, #tpu.memory_space<vmem_shared>> -> memref<128x64xf32, #tpu.memory_space<vmem_shared>>
      tpu.enqueue_dma source(%arg11 : memref<128x64xf32, #tpu.memory_space<vmem>>) target(%dma_start3A_297 : memref<128x64xf32, #tpu.memory_space<vmem_shared>>) target_semaphore(%run_scoped3A_293 : memref<!tpu.dma_semaphore, #tpu.memory_space<semaphore_mem>>)
      %dma_wait3A_298 = arith.constant 0 : i32
      %dma_wait3A_299 = tpu.memref_slice %arg12[%add3A_14, %dma_wait3A_298] : memref<10240x64xf32, #tpu.memory_space<vmem_shared>> -> memref<128x64xf32, #tpu.memory_space<vmem_shared>>
      %dma_wait3A_300 = arith.constant 0 : i32
      %dma_wait3A_301 = tpu.memref_slice %arg12[%add3A_14, %dma_wait3A_300] : memref<10240x64xf32, #tpu.memory_space<vmem_shared>> -> memref<128x64xf32, #tpu.memory_space<vmem_shared>>
      tpu.wait_dma2 semaphore(%run_scoped3A_293 : memref<!tpu.dma_semaphore, #tpu.memory_space<semaphore_mem>>) src(%arg11 : memref<128x64xf32, #tpu.memory_space<vmem>>) dst(%dma_wait3A_301 : memref<128x64xf32, #tpu.memory_space<vmem_shared>>)
      tpu.yield
    }) : () -> ()
    %mul3A_15 = arith.constant 640 : i32
    %mul3A_16 = arith.muli %arg1, %mul3A_15 : i32
    %add3A_17 = arith.constant 128 : i32
    %add3A_18 = arith.addi %mul3A_16, %add3A_17 : i32
    "tpu.region"() ({
      %run_scoped3A_293 = tpu.sem_alloc : memref<!tpu.dma_semaphore, #tpu.memory_space<semaphore_mem>>
      %dma_start3A_294 = arith.constant 0 : i32
      %dma_start3A_295 = tpu.memref_slice %arg12[%add3A_18, %dma_start3A_294] : memref<10240x64xf32, #tpu.memory_space<vmem_shared>> -> memref<128x64xf32, #tpu.memory_space<vmem_shared>>
      %dma_start3A_296 = arith.constant 0 : i32
      %dma_start3A_297 = tpu.memref_slice %arg12[%add3A_18, %dma_start3A_296] : memref<10240x64xf32, #tpu.memory_space<vmem_shared>> -> memref<128x64xf32, #tpu.memory_space<vmem_shared>>
      tpu.enqueue_dma source(%arg11 : memref<128x64xf32, #tpu.memory_space<vmem>>) target(%dma_start3A_297 : memref<128x64xf32, #tpu.memory_space<vmem_shared>>) target_semaphore(%run_scoped3A_293 : memref<!tpu.dma_semaphore, #tpu.memory_space<semaphore_mem>>)
      %dma_wait3A_298 = arith.constant 0 : i32
      %dma_wait3A_299 = tpu.memref_slice %arg12[%add3A_18, %dma_wait3A_298] : memref<10240x64xf32, #tpu.memory_space<vmem_shared>> -> memref<128x64xf32, #tpu.memory_space<vmem_shared>>
      %dma_wait3A_300 = arith.constant 0 : i32
      %dma_wait3A_301 = tpu.memref_slice %arg12[%add3A_18, %dma_wait3A_300] : memref<10240x64xf32, #tpu.memory_space<vmem_shared>> -> memref<128x64xf32, #tpu.memory_space<vmem_shared>>
      tpu.wait_dma2 semaphore(%run_scoped3A_293 : memref<!tpu.dma_semaphore, #tpu.memory_space<semaphore_mem>>) src(%arg11 : memref<128x64xf32, #tpu.memory_space<vmem>>) dst(%dma_wait3A_301 : memref<128x64xf32, #tpu.memory_space<vmem_shared>>)
      tpu.yield
    }) : () -> ()
    %mul3A_19 = arith.constant 640 : i32
    %mul3A_20 = arith.muli %arg1, %mul3A_19 : i32
    %add3A_21 = arith.constant 256 : i32
    %add3A_22 = arith.addi %mul3A_20, %add3A_21 : i32
    "tpu.region"() ({
      %run_scoped3A_293 = tpu.sem_alloc : memref<!tpu.dma_semaphore, #tpu.memory_space<semaphore_mem>>
      %dma_start3A_294 = arith.constant 0 : i32
      %dma_start3A_295 = tpu.memref_slice %arg12[%add3A_22, %dma_start3A_294] : memref<10240x64xf32, #tpu.memory_space<vmem_shared>> -> memref<128x64xf32, #tpu.memory_space<vmem_shared>>
      %dma_start3A_296 = arith.constant 0 : i32
      %dma_start3A_297 = tpu.memref_slice %arg12[%add3A_22, %dma_start3A_296] : memref<10240x64xf32, #tpu.memory_space<vmem_shared>> -> memref<128x64xf32, #tpu.memory_space<vmem_shared>>
      tpu.enqueue_dma source(%arg11 : memref<128x64xf32, #tpu.memory_space<vmem>>) target(%dma_start3A_297 : memref<128x64xf32, #tpu.memory_space<vmem_shared>>) target_semaphore(%run_scoped3A_293 : memref<!tpu.dma_semaphore, #tpu.memory_space<semaphore_mem>>)
      %dma_wait3A_298 = arith.constant 0 : i32
      %dma_wait3A_299 = tpu.memref_slice %arg12[%add3A_22, %dma_wait3A_298] : memref<10240x64xf32, #tpu.memory_space<vmem_shared>> -> memref<128x64xf32, #tpu.memory_space<vmem_shared>>
      %dma_wait3A_300 = arith.constant 0 : i32
      %dma_wait3A_301 = tpu.memref_slice %arg12[%add3A_22, %dma_wait3A_300] : memref<10240x64xf32, #tpu.memory_space<vmem_shared>> -> memref<128x64xf32, #tpu.memory_space<vmem_shared>>
      tpu.wait_dma2 semaphore(%run_scoped3A_293 : memref<!tpu.dma_semaphore, #tpu.memory_space<semaphore_mem>>) src(%arg11 : memref<128x64xf32, #tpu.memory_space<vmem>>) dst(%dma_wait3A_301 : memref<128x64xf32, #tpu.memory_space<vmem_shared>>)
      tpu.yield
    }) : () -> ()
    %mul3A_23 = arith.constant 640 : i32
    %mul3A_24 = arith.muli %arg1, %mul3A_23 : i32
    %add3A_25 = arith.constant 384 : i32
    %add3A_26 = arith.addi %mul3A_24, %add3A_25 : i32
    "tpu.region"() ({
      %run_scoped3A_293 = tpu.sem_alloc : memref<!tpu.dma_semaphore, #tpu.memory_space<semaphore_mem>>
      %dma_start3A_294 = arith.constant 0 : i32
      %dma_start3A_295 = tpu.memref_slice %arg12[%add3A_26, %dma_start3A_294] : memref<10240x64xf32, #tpu.memory_space<vmem_shared>> -> memref<128x64xf32, #tpu.memory_space<vmem_shared>>
      %dma_start3A_296 = arith.constant 0 : i32
      %dma_start3A_297 = tpu.memref_slice %arg12[%add3A_26, %dma_start3A_296] : memref<10240x64xf32, #tpu.memory_space<vmem_shared>> -> memref<128x64xf32, #tpu.memory_space<vmem_shared>>
      tpu.enqueue_dma source(%arg11 : memref<128x64xf32, #tpu.memory_space<vmem>>) target(%dma_start3A_297 : memref<128x64xf32, #tpu.memory_space<vmem_shared>>) target_semaphore(%run_scoped3A_293 : memref<!tpu.dma_semaphore, #tpu.memory_space<semaphore_mem>>)
      %dma_wait3A_298 = arith.constant 0 : i32
      %dma_wait3A_299 = tpu.memref_slice %arg12[%add3A_26, %dma_wait3A_298] : memref<10240x64xf32, #tpu.memory_space<vmem_shared>> -> memref<128x64xf32, #tpu.memory_space<vmem_shared>>
      %dma_wait3A_300 = arith.constant 0 : i32
      %dma_wait3A_301 = tpu.memref_slice %arg12[%add3A_26, %dma_wait3A_300] : memref<10240x64xf32, #tpu.memory_space<vmem_shared>> -> memref<128x64xf32, #tpu.memory_space<vmem_shared>>
      tpu.wait_dma2 semaphore(%run_scoped3A_293 : memref<!tpu.dma_semaphore, #tpu.memory_space<semaphore_mem>>) src(%arg11 : memref<128x64xf32, #tpu.memory_space<vmem>>) dst(%dma_wait3A_301 : memref<128x64xf32, #tpu.memory_space<vmem_shared>>)
      tpu.yield
    }) : () -> ()
    %mul3A_27 = arith.constant 640 : i32
    %mul3A_28 = arith.muli %arg1, %mul3A_27 : i32
    %add3A_29 = arith.constant 512 : i32
    %add3A_30 = arith.addi %mul3A_28, %add3A_29 : i32
    "tpu.region"() ({
      %run_scoped3A_293 = tpu.sem_alloc : memref<!tpu.dma_semaphore, #tpu.memory_space<semaphore_mem>>
      %dma_start3A_294 = arith.constant 0 : i32
      %dma_start3A_295 = tpu.memref_slice %arg12[%add3A_30, %dma_start3A_294] : memref<10240x64xf32, #tpu.memory_space<vmem_shared>> -> memref<128x64xf32, #tpu.memory_space<vmem_shared>>
      %dma_start3A_296 = arith.constant 0 : i32
      %dma_start3A_297 = tpu.memref_slice %arg12[%add3A_30, %dma_start3A_296] : memref<10240x64xf32, #tpu.memory_space<vmem_shared>> -> memref<128x64xf32, #tpu.memory_space<vmem_shared>>
      tpu.enqueue_dma source(%arg11 : memref<128x64xf32, #tpu.memory_space<vmem>>) target(%dma_start3A_297 : memref<128x64xf32, #tpu.memory_space<vmem_shared>>) target_semaphore(%run_scoped3A_293 : memref<!tpu.dma_semaphore, #tpu.memory_space<semaphore_mem>>)
      %dma_wait3A_298 = arith.constant 0 : i32
      %dma_wait3A_299 = tpu.memref_slice %arg12[%add3A_30, %dma_wait3A_298] : memref<10240x64xf32, #tpu.memory_space<vmem_shared>> -> memref<128x64xf32, #tpu.memory_space<vmem_shared>>
      %dma_wait3A_300 = arith.constant 0 : i32
      %dma_wait3A_301 = tpu.memref_slice %arg12[%add3A_30, %dma_wait3A_300] : memref<10240x64xf32, #tpu.memory_space<vmem_shared>> -> memref<128x64xf32, #tpu.memory_space<vmem_shared>>
      tpu.wait_dma2 semaphore(%run_scoped3A_293 : memref<!tpu.dma_semaphore, #tpu.memory_space<semaphore_mem>>) src(%arg11 : memref<128x64xf32, #tpu.memory_space<vmem>>) dst(%dma_wait3A_301 : memref<128x64xf32, #tpu.memory_space<vmem_shared>>)
      tpu.yield
    }) : () -> ()
    %barrier3A = arith.constant 0 : index
    tpu.barrier barrier_id(%barrier3A)
    %run_scoped3A = arith.constant 0 : i32
    "tpu.region"() ({
      %run_scoped3A_293 = tpu.sem_alloc : memref<!tpu.dma_semaphore, #tpu.memory_space<semaphore_mem>>
      %dma_start3A_294 = arith.constant 0 : i32
      %dma_start3A_295 = arith.constant 0 : i32
      %dma_start3A_296 = tpu.memref_slice %arg3[%run_scoped3A, %add3A, %dma_start3A_294, %dma_start3A_295] : memref<2x32x125x80xi32, #tpu.memory_space<hbm>> -> memref<1x1x125x80xi32, #tpu.memory_space<hbm>>
      %dma_start3A_297 = tpu.memref_squeeze %dma_start3A_296 : memref<1x1x125x80xi32, #tpu.memory_space<hbm>> -> memref<125x80xi32, #tpu.memory_space<hbm>>
      %dma_start3A_298 = arith.constant 0 : i32
      %dma_start3A_299 = arith.constant 0 : i32
      %dma_start3A_300 = tpu.memref_slice %arg3[%run_scoped3A, %add3A, %dma_start3A_298, %dma_start3A_299] : memref<2x32x125x80xi32, #tpu.memory_space<hbm>> -> memref<1x1x125x80xi32, #tpu.memory_space<hbm>>
      %dma_start3A_301 = tpu.memref_squeeze %dma_start3A_300 : memref<1x1x125x80xi32, #tpu.memory_space<hbm>> -> memref<125x80xi32, #tpu.memory_space<hbm>>
      tpu.enqueue_dma source(%dma_start3A_301 : memref<125x80xi32, #tpu.memory_space<hbm>>) target(%arg5 : memref<125x80xi32, #tpu.memory_space<vmem>>) target_semaphore(%run_scoped3A_293 : memref<!tpu.dma_semaphore, #tpu.memory_space<semaphore_mem>>)
      %dma_wait3A_302 = arith.constant 0 : i32
      %dma_wait3A_303 = arith.constant 0 : i32
      %dma_wait3A_304 = tpu.memref_slice %arg3[%run_scoped3A, %add3A, %dma_wait3A_302, %dma_wait3A_303] : memref<2x32x125x80xi32, #tpu.memory_space<hbm>> -> memref<1x1x125x80xi32, #tpu.memory_space<hbm>>
      %dma_wait3A_305 = tpu.memref_squeeze %dma_wait3A_304 : memref<1x1x125x80xi32, #tpu.memory_space<hbm>> -> memref<125x80xi32, #tpu.memory_space<hbm>>
      %dma_wait3A_306 = arith.constant 0 : i32
      %dma_wait3A_307 = arith.constant 0 : i32
      %dma_wait3A_308 = tpu.memref_slice %arg3[%run_scoped3A, %add3A, %dma_wait3A_306, %dma_wait3A_307] : memref<2x32x125x80xi32, #tpu.memory_space<hbm>> -> memref<1x1x125x80xi32, #tpu.memory_space<hbm>>
      %dma_wait3A_309 = tpu.memref_squeeze %dma_wait3A_308 : memref<1x1x125x80xi32, #tpu.memory_space<hbm>> -> memref<125x80xi32, #tpu.memory_space<hbm>>
      tpu.wait_dma2 semaphore(%run_scoped3A_293 : memref<!tpu.dma_semaphore, #tpu.memory_space<semaphore_mem>>) src(%dma_wait3A_309 : memref<125x80xi32, #tpu.memory_space<hbm>>) dst(%arg5 : memref<125x80xi32, #tpu.memory_space<vmem>>)
      tpu.yield
    }) : () -> ()
    %run_scoped3A_31 = arith.constant 1 : i32
    "tpu.region"() ({
      %run_scoped3A_293 = tpu.sem_alloc : memref<!tpu.dma_semaphore, #tpu.memory_space<semaphore_mem>>
      %dma_start3A_294 = arith.constant 0 : i32
      %dma_start3A_295 = arith.constant 0 : i32
      %dma_start3A_296 = tpu.memref_slice %arg3[%run_scoped3A_31, %add3A, %dma_start3A_294, %dma_start3A_295] : memref<2x32x125x80xi32, #tpu.memory_space<hbm>> -> memref<1x1x125x80xi32, #tpu.memory_space<hbm>>
      %dma_start3A_297 = tpu.memref_squeeze %dma_start3A_296 : memref<1x1x125x80xi32, #tpu.memory_space<hbm>> -> memref<125x80xi32, #tpu.memory_space<hbm>>
      %dma_start3A_298 = arith.constant 0 : i32
      %dma_start3A_299 = arith.constant 0 : i32
      %dma_start3A_300 = tpu.memref_slice %arg3[%run_scoped3A_31, %add3A, %dma_start3A_298, %dma_start3A_299] : memref<2x32x125x80xi32, #tpu.memory_space<hbm>> -> memref<1x1x125x80xi32, #tpu.memory_space<hbm>>
      %dma_start3A_301 = tpu.memref_squeeze %dma_start3A_300 : memref<1x1x125x80xi32, #tpu.memory_space<hbm>> -> memref<125x80xi32, #tpu.memory_space<hbm>>
      tpu.enqueue_dma source(%dma_start3A_301 : memref<125x80xi32, #tpu.memory_space<hbm>>) target(%arg6 : memref<125x80xi32, #tpu.memory_space<vmem>>) target_semaphore(%run_scoped3A_293 : memref<!tpu.dma_semaphore, #tpu.memory_space<semaphore_mem>>)
      %dma_wait3A_302 = arith.constant 0 : i32
      %dma_wait3A_303 = arith.constant 0 : i32
      %dma_wait3A_304 = tpu.memref_slice %arg3[%run_scoped3A_31, %add3A, %dma_wait3A_302, %dma_wait3A_303] : memref<2x32x125x80xi32, #tpu.memory_space<hbm>> -> memref<1x1x125x80xi32, #tpu.memory_space<hbm>>
      %dma_wait3A_305 = tpu.memref_squeeze %dma_wait3A_304 : memref<1x1x125x80xi32, #tpu.memory_space<hbm>> -> memref<125x80xi32, #tpu.memory_space<hbm>>
      %dma_wait3A_306 = arith.constant 0 : i32
      %dma_wait3A_307 = arith.constant 0 : i32
      %dma_wait3A_308 = tpu.memref_slice %arg3[%run_scoped3A_31, %add3A, %dma_wait3A_306, %dma_wait3A_307] : memref<2x32x125x80xi32, #tpu.memory_space<hbm>> -> memref<1x1x125x80xi32, #tpu.memory_space<hbm>>
      %dma_wait3A_309 = tpu.memref_squeeze %dma_wait3A_308 : memref<1x1x125x80xi32, #tpu.memory_space<hbm>> -> memref<125x80xi32, #tpu.memory_space<hbm>>
      tpu.wait_dma2 semaphore(%run_scoped3A_293 : memref<!tpu.dma_semaphore, #tpu.memory_space<semaphore_mem>>) src(%dma_wait3A_309 : memref<125x80xi32, #tpu.memory_space<hbm>>) dst(%arg6 : memref<125x80xi32, #tpu.memory_space<vmem>>)
      tpu.yield
    }) : () -> ()
    %dma_start3A = arith.constant 0 : i32
    %dma_start3A_32 = arith.constant 0 : i32
    %dma_start3A_33 = tpu.memref_slice %arg5[%dma_start3A, %dma_start3A_32] : memref<125x80xi32, #tpu.memory_space<vmem>> -> memref<1x80xi32, #tpu.memory_space<vmem>>
    %dma_start3A_34 = tpu.memref_squeeze %dma_start3A_33 : memref<1x80xi32, #tpu.memory_space<vmem>> -> memref<80xi32, #tpu.memory_space<vmem>>
    %dma_start3A_35 = arith.constant 0 : i32
    %dma_start3A_36 = arith.constant 0 : i32
    %dma_start3A_37 = tpu.memref_slice %arg13[%dma_start3A_35, %dma_start3A_36] : memref<10240x64xf32, #tpu.memory_space<vmem_shared>> -> memref<10240x64xf32, #tpu.memory_space<vmem_shared>>
    tpu.enqueue_indirect_dma source(%dma_start3A_37 : memref<10240x64xf32, #tpu.memory_space<vmem_shared>>) target(%arg7 : memref<80x64xf32, #tpu.memory_space<vmem>>) offsets(%dma_start3A_34 : memref<80xi32, #tpu.memory_space<vmem>>) semaphore(%arg14 : memref<!tpu.dma_semaphore, #tpu.memory_space<semaphore_mem>>)
    %dma_start3A_38 = arith.constant 1 : i32
    %dma_start3A_39 = arith.constant 0 : i32
    %dma_start3A_40 = tpu.memref_slice %arg5[%dma_start3A_38, %dma_start3A_39] : memref<125x80xi32, #tpu.memory_space<vmem>> -> memref<1x80xi32, #tpu.memory_space<vmem>>
    %dma_start3A_41 = tpu.memref_squeeze %dma_start3A_40 : memref<1x80xi32, #tpu.memory_space<vmem>> -> memref<80xi32, #tpu.memory_space<vmem>>
    %dma_start3A_42 = arith.constant 0 : i32
    %dma_start3A_43 = arith.constant 0 : i32
    %dma_start3A_44 = tpu.memref_slice %arg13[%dma_start3A_42, %dma_start3A_43] : memref<10240x64xf32, #tpu.memory_space<vmem_shared>> -> memref<10240x64xf32, #tpu.memory_space<vmem_shared>>
    tpu.enqueue_indirect_dma source(%dma_start3A_44 : memref<10240x64xf32, #tpu.memory_space<vmem_shared>>) target(%arg8 : memref<80x64xf32, #tpu.memory_space<vmem>>) offsets(%dma_start3A_41 : memref<80xi32, #tpu.memory_space<vmem>>) semaphore(%arg15 : memref<!tpu.dma_semaphore, #tpu.memory_space<semaphore_mem>>)
    %dma_start3A_45 = arith.constant 2 : i32
    %dma_start3A_46 = arith.constant 0 : i32
    %dma_start3A_47 = tpu.memref_slice %arg5[%dma_start3A_45, %dma_start3A_46] : memref<125x80xi32, #tpu.memory_space<vmem>> -> memref<1x80xi32, #tpu.memory_space<vmem>>
    %dma_start3A_48 = tpu.memref_squeeze %dma_start3A_47 : memref<1x80xi32, #tpu.memory_space<vmem>> -> memref<80xi32, #tpu.memory_space<vmem>>
    %dma_start3A_49 = arith.constant 0 : i32
    %dma_start3A_50 = arith.constant 0 : i32
    %dma_start3A_51 = tpu.memref_slice %arg13[%dma_start3A_49, %dma_start3A_50] : memref<10240x64xf32, #tpu.memory_space<vmem_shared>> -> memref<10240x64xf32, #tpu.memory_space<vmem_shared>>
    tpu.enqueue_indirect_dma source(%dma_start3A_51 : memref<10240x64xf32, #tpu.memory_space<vmem_shared>>) target(%arg9 : memref<80x64xf32, #tpu.memory_space<vmem>>) offsets(%dma_start3A_48 : memref<80xi32, #tpu.memory_space<vmem>>) semaphore(%arg16 : memref<!tpu.dma_semaphore, #tpu.memory_space<semaphore_mem>>)
    %dma_wait3A = arith.constant 0 : i32
    %dma_wait3A_52 = arith.constant 0 : i32
    %dma_wait3A_53 = tpu.memref_slice %arg5[%dma_wait3A, %dma_wait3A_52] : memref<125x80xi32, #tpu.memory_space<vmem>> -> memref<1x80xi32, #tpu.memory_space<vmem>>
    %dma_wait3A_54 = tpu.memref_squeeze %dma_wait3A_53 : memref<1x80xi32, #tpu.memory_space<vmem>> -> memref<80xi32, #tpu.memory_space<vmem>>
    %dma_wait3A_55 = arith.constant 0 : i32
    %dma_wait3A_56 = arith.constant 0 : i32
    %dma_wait3A_57 = tpu.memref_slice %arg13[%dma_wait3A_55, %dma_wait3A_56] : memref<10240x64xf32, #tpu.memory_space<vmem_shared>> -> memref<10240x64xf32, #tpu.memory_space<vmem_shared>>
    tpu.wait_indirect_dma semaphore(%arg14 : memref<!tpu.dma_semaphore, #tpu.memory_space<semaphore_mem>>) src(%dma_wait3A_57 : memref<10240x64xf32, #tpu.memory_space<vmem_shared>>) dst(%arg7 : memref<80x64xf32, #tpu.memory_space<vmem>>)
    %dma_start3A_58 = arith.constant 0 : i32
    %dma_start3A_59 = arith.constant 0 : i32
    %dma_start3A_60 = tpu.memref_slice %arg6[%dma_start3A_58, %dma_start3A_59] : memref<125x80xi32, #tpu.memory_space<vmem>> -> memref<1x80xi32, #tpu.memory_space<vmem>>
    %dma_start3A_61 = tpu.memref_squeeze %dma_start3A_60 : memref<1x80xi32, #tpu.memory_space<vmem>> -> memref<80xi32, #tpu.memory_space<vmem>>
    %dma_start3A_62 = arith.constant 0 : i32
    %dma_start3A_63 = arith.constant 0 : i32
    %dma_start3A_64 = tpu.memref_slice %arg12[%dma_start3A_62, %dma_start3A_63] : memref<10240x64xf32, #tpu.memory_space<vmem_shared>> -> memref<10240x64xf32, #tpu.memory_space<vmem_shared>>
    tpu.enqueue_indirect_dma source(%arg7 : memref<80x64xf32, #tpu.memory_space<vmem>>) target(%dma_start3A_64 : memref<10240x64xf32, #tpu.memory_space<vmem_shared>>) offsets(%dma_start3A_61 : memref<80xi32, #tpu.memory_space<vmem>>) semaphore(%arg18 : memref<!tpu.dma_semaphore, #tpu.memory_space<semaphore_mem>>) {add = true}
    %dma_start3A_65 = arith.constant 3 : i32
    %dma_start3A_66 = arith.constant 0 : i32
    %dma_start3A_67 = tpu.memref_slice %arg5[%dma_start3A_65, %dma_start3A_66] : memref<125x80xi32, #tpu.memory_space<vmem>> -> memref<1x80xi32, #tpu.memory_space<vmem>>
    %dma_start3A_68 = tpu.memref_squeeze %dma_start3A_67 : memref<1x80xi32, #tpu.memory_space<vmem>> -> memref<80xi32, #tpu.memory_space<vmem>>
    %dma_start3A_69 = arith.constant 0 : i32
    %dma_start3A_70 = arith.constant 0 : i32
    %dma_start3A_71 = tpu.memref_slice %arg13[%dma_start3A_69, %dma_start3A_70] : memref<10240x64xf32, #tpu.memory_space<vmem_shared>> -> memref<10240x64xf32, #tpu.memory_space<vmem_shared>>
    tpu.enqueue_indirect_dma source(%dma_start3A_71 : memref<10240x64xf32, #tpu.memory_space<vmem_shared>>) target(%arg10 : memref<80x64xf32, #tpu.memory_space<vmem>>) offsets(%dma_start3A_68 : memref<80xi32, #tpu.memory_space<vmem>>) semaphore(%arg17 : memref<!tpu.dma_semaphore, #tpu.memory_space<semaphore_mem>>)
    %dma_wait3A_72 = arith.constant 1 : i32
    %dma_wait3A_73 = arith.constant 0 : i32
    %dma_wait3A_74 = tpu.memref_slice %arg5[%dma_wait3A_72, %dma_wait3A_73] : memref<125x80xi32, #tpu.memory_space<vmem>> -> memref<1x80xi32, #tpu.memory_space<vmem>>
    %dma_wait3A_75 = tpu.memref_squeeze %dma_wait3A_74 : memref<1x80xi32, #tpu.memory_space<vmem>> -> memref<80xi32, #tpu.memory_space<vmem>>
    %dma_wait3A_76 = arith.constant 0 : i32
    %dma_wait3A_77 = arith.constant 0 : i32
    %dma_wait3A_78 = tpu.memref_slice %arg13[%dma_wait3A_76, %dma_wait3A_77] : memref<10240x64xf32, #tpu.memory_space<vmem_shared>> -> memref<10240x64xf32, #tpu.memory_space<vmem_shared>>
    tpu.wait_indirect_dma semaphore(%arg15 : memref<!tpu.dma_semaphore, #tpu.memory_space<semaphore_mem>>) src(%dma_wait3A_78 : memref<10240x64xf32, #tpu.memory_space<vmem_shared>>) dst(%arg8 : memref<80x64xf32, #tpu.memory_space<vmem>>)
    %dma_start3A_79 = arith.constant 1 : i32
    %dma_start3A_80 = arith.constant 0 : i32
    %dma_start3A_81 = tpu.memref_slice %arg6[%dma_start3A_79, %dma_start3A_80] : memref<125x80xi32, #tpu.memory_space<vmem>> -> memref<1x80xi32, #tpu.memory_space<vmem>>
    %dma_start3A_82 = tpu.memref_squeeze %dma_start3A_81 : memref<1x80xi32, #tpu.memory_space<vmem>> -> memref<80xi32, #tpu.memory_space<vmem>>
    %dma_start3A_83 = arith.constant 0 : i32
    %dma_start3A_84 = arith.constant 0 : i32
    %dma_start3A_85 = tpu.memref_slice %arg12[%dma_start3A_83, %dma_start3A_84] : memref<10240x64xf32, #tpu.memory_space<vmem_shared>> -> memref<10240x64xf32, #tpu.memory_space<vmem_shared>>
    tpu.enqueue_indirect_dma source(%arg8 : memref<80x64xf32, #tpu.memory_space<vmem>>) target(%dma_start3A_85 : memref<10240x64xf32, #tpu.memory_space<vmem_shared>>) offsets(%dma_start3A_82 : memref<80xi32, #tpu.memory_space<vmem>>) semaphore(%arg19 : memref<!tpu.dma_semaphore, #tpu.memory_space<semaphore_mem>>) {add = true}
    %dma_wait3A_86 = arith.constant 0 : i32
    %dma_wait3A_87 = arith.constant 0 : i32
    %dma_wait3A_88 = tpu.memref_slice %arg6[%dma_wait3A_86, %dma_wait3A_87] : memref<125x80xi32, #tpu.memory_space<vmem>> -> memref<1x80xi32, #tpu.memory_space<vmem>>
    %dma_wait3A_89 = tpu.memref_squeeze %dma_wait3A_88 : memref<1x80xi32, #tpu.memory_space<vmem>> -> memref<80xi32, #tpu.memory_space<vmem>>
    %dma_wait3A_90 = arith.constant 0 : i32
    %dma_wait3A_91 = arith.constant 0 : i32
    %dma_wait3A_92 = tpu.memref_slice %arg12[%dma_wait3A_90, %dma_wait3A_91] : memref<10240x64xf32, #tpu.memory_space<vmem_shared>> -> memref<10240x64xf32, #tpu.memory_space<vmem_shared>>
    tpu.wait_indirect_dma semaphore(%arg18 : memref<!tpu.dma_semaphore, #tpu.memory_space<semaphore_mem>>) src(%arg7 : memref<80x64xf32, #tpu.memory_space<vmem>>) dst(%dma_wait3A_92 : memref<10240x64xf32, #tpu.memory_space<vmem_shared>>)
    %dma_start3A_93 = arith.constant 4 : i32
    %dma_start3A_94 = arith.constant 0 : i32
    %dma_start3A_95 = tpu.memref_slice %arg5[%dma_start3A_93, %dma_start3A_94] : memref<125x80xi32, #tpu.memory_space<vmem>> -> memref<1x80xi32, #tpu.memory_space<vmem>>
    %dma_start3A_96 = tpu.memref_squeeze %dma_start3A_95 : memref<1x80xi32, #tpu.memory_space<vmem>> -> memref<80xi32, #tpu.memory_space<vmem>>
    %dma_start3A_97 = arith.constant 0 : i32
    %dma_start3A_98 = arith.constant 0 : i32
    %dma_start3A_99 = tpu.memref_slice %arg13[%dma_start3A_97, %dma_start3A_98] : memref<10240x64xf32, #tpu.memory_space<vmem_shared>> -> memref<10240x64xf32, #tpu.memory_space<vmem_shared>>
    tpu.enqueue_indirect_dma source(%dma_start3A_99 : memref<10240x64xf32, #tpu.memory_space<vmem_shared>>) target(%arg7 : memref<80x64xf32, #tpu.memory_space<vmem>>) offsets(%dma_start3A_96 : memref<80xi32, #tpu.memory_space<vmem>>) semaphore(%arg14 : memref<!tpu.dma_semaphore, #tpu.memory_space<semaphore_mem>>)
    %dma_wait3A_100 = arith.constant 2 : i32
    %dma_wait3A_101 = arith.constant 0 : i32
    %dma_wait3A_102 = tpu.memref_slice %arg5[%dma_wait3A_100, %dma_wait3A_101] : memref<125x80xi32, #tpu.memory_space<vmem>> -> memref<1x80xi32, #tpu.memory_space<vmem>>
    %dma_wait3A_103 = tpu.memref_squeeze %dma_wait3A_102 : memref<1x80xi32, #tpu.memory_space<vmem>> -> memref<80xi32, #tpu.memory_space<vmem>>
    %dma_wait3A_104 = arith.constant 0 : i32
    %dma_wait3A_105 = arith.constant 0 : i32
    %dma_wait3A_106 = tpu.memref_slice %arg13[%dma_wait3A_104, %dma_wait3A_105] : memref<10240x64xf32, #tpu.memory_space<vmem_shared>> -> memref<10240x64xf32, #tpu.memory_space<vmem_shared>>
    tpu.wait_indirect_dma semaphore(%arg16 : memref<!tpu.dma_semaphore, #tpu.memory_space<semaphore_mem>>) src(%dma_wait3A_106 : memref<10240x64xf32, #tpu.memory_space<vmem_shared>>) dst(%arg9 : memref<80x64xf32, #tpu.memory_space<vmem>>)
    %dma_start3A_107 = arith.constant 2 : i32
    %dma_start3A_108 = arith.constant 0 : i32
    %dma_start3A_109 = tpu.memref_slice %arg6[%dma_start3A_107, %dma_start3A_108] : memref<125x80xi32, #tpu.memory_space<vmem>> -> memref<1x80xi32, #tpu.memory_space<vmem>>
    %dma_start3A_110 = tpu.memref_squeeze %dma_start3A_109 : memref<1x80xi32, #tpu.memory_space<vmem>> -> memref<80xi32, #tpu.memory_space<vmem>>
    %dma_start3A_111 = arith.constant 0 : i32
    %dma_start3A_112 = arith.constant 0 : i32
    %dma_start3A_113 = tpu.memref_slice %arg12[%dma_start3A_111, %dma_start3A_112] : memref<10240x64xf32, #tpu.memory_space<vmem_shared>> -> memref<10240x64xf32, #tpu.memory_space<vmem_shared>>
    tpu.enqueue_indirect_dma source(%arg9 : memref<80x64xf32, #tpu.memory_space<vmem>>) target(%dma_start3A_113 : memref<10240x64xf32, #tpu.memory_space<vmem_shared>>) offsets(%dma_start3A_110 : memref<80xi32, #tpu.memory_space<vmem>>) semaphore(%arg20 : memref<!tpu.dma_semaphore, #tpu.memory_space<semaphore_mem>>) {add = true}
    %dma_wait3A_114 = arith.constant 1 : i32
    %dma_wait3A_115 = arith.constant 0 : i32
    %dma_wait3A_116 = tpu.memref_slice %arg6[%dma_wait3A_114, %dma_wait3A_115] : memref<125x80xi32, #tpu.memory_space<vmem>> -> memref<1x80xi32, #tpu.memory_space<vmem>>
    %dma_wait3A_117 = tpu.memref_squeeze %dma_wait3A_116 : memref<1x80xi32, #tpu.memory_space<vmem>> -> memref<80xi32, #tpu.memory_space<vmem>>
    %dma_wait3A_118 = arith.constant 0 : i32
    %dma_wait3A_119 = arith.constant 0 : i32
    %dma_wait3A_120 = tpu.memref_slice %arg12[%dma_wait3A_118, %dma_wait3A_119] : memref<10240x64xf32, #tpu.memory_space<vmem_shared>> -> memref<10240x64xf32, #tpu.memory_space<vmem_shared>>
    tpu.wait_indirect_dma semaphore(%arg19 : memref<!tpu.dma_semaphore, #tpu.memory_space<semaphore_mem>>) src(%arg8 : memref<80x64xf32, #tpu.memory_space<vmem>>) dst(%dma_wait3A_120 : memref<10240x64xf32, #tpu.memory_space<vmem_shared>>)
    %dma_start3A_121 = arith.constant 5 : i32
    %dma_start3A_122 = arith.constant 0 : i32
    %dma_start3A_123 = tpu.memref_slice %arg5[%dma_start3A_121, %dma_start3A_122] : memref<125x80xi32, #tpu.memory_space<vmem>> -> memref<1x80xi32, #tpu.memory_space<vmem>>
    %dma_start3A_124 = tpu.memref_squeeze %dma_start3A_123 : memref<1x80xi32, #tpu.memory_space<vmem>> -> memref<80xi32, #tpu.memory_space<vmem>>
    %dma_start3A_125 = arith.constant 0 : i32
    %dma_start3A_126 = arith.constant 0 : i32
    %dma_start3A_127 = tpu.memref_slice %arg13[%dma_start3A_125, %dma_start3A_126] : memref<10240x64xf32, #tpu.memory_space<vmem_shared>> -> memref<10240x64xf32, #tpu.memory_space<vmem_shared>>
    tpu.enqueue_indirect_dma source(%dma_start3A_127 : memref<10240x64xf32, #tpu.memory_space<vmem_shared>>) target(%arg8 : memref<80x64xf32, #tpu.memory_space<vmem>>) offsets(%dma_start3A_124 : memref<80xi32, #tpu.memory_space<vmem>>) semaphore(%arg15 : memref<!tpu.dma_semaphore, #tpu.memory_space<semaphore_mem>>)
    %dma_wait3A_128 = arith.constant 3 : i32
    %dma_wait3A_129 = arith.constant 0 : i32
    %dma_wait3A_130 = tpu.memref_slice %arg5[%dma_wait3A_128, %dma_wait3A_129] : memref<125x80xi32, #tpu.memory_space<vmem>> -> memref<1x80xi32, #tpu.memory_space<vmem>>
    %dma_wait3A_131 = tpu.memref_squeeze %dma_wait3A_130 : memref<1x80xi32, #tpu.memory_space<vmem>> -> memref<80xi32, #tpu.memory_space<vmem>>
    %dma_wait3A_132 = arith.constant 0 : i32
    %dma_wait3A_133 = arith.constant 0 : i32
    %dma_wait3A_134 = tpu.memref_slice %arg13[%dma_wait3A_132, %dma_wait3A_133] : memref<10240x64xf32, #tpu.memory_space<vmem_shared>> -> memref<10240x64xf32, #tpu.memory_space<vmem_shared>>
    tpu.wait_indirect_dma semaphore(%arg17 : memref<!tpu.dma_semaphore, #tpu.memory_space<semaphore_mem>>) src(%dma_wait3A_134 : memref<10240x64xf32, #tpu.memory_space<vmem_shared>>) dst(%arg10 : memref<80x64xf32, #tpu.memory_space<vmem>>)
    %dma_start3A_135 = arith.constant 3 : i32
    %dma_start3A_136 = arith.constant 0 : i32
    %dma_start3A_137 = tpu.memref_slice %arg6[%dma_start3A_135, %dma_start3A_136] : memref<125x80xi32, #tpu.memory_space<vmem>> -> memref<1x80xi32, #tpu.memory_space<vmem>>
    %dma_start3A_138 = tpu.memref_squeeze %dma_start3A_137 : memref<1x80xi32, #tpu.memory_space<vmem>> -> memref<80xi32, #tpu.memory_space<vmem>>
    %dma_start3A_139 = arith.constant 0 : i32
    %dma_start3A_140 = arith.constant 0 : i32
    %dma_start3A_141 = tpu.memref_slice %arg12[%dma_start3A_139, %dma_start3A_140] : memref<10240x64xf32, #tpu.memory_space<vmem_shared>> -> memref<10240x64xf32, #tpu.memory_space<vmem_shared>>
    tpu.enqueue_indirect_dma source(%arg10 : memref<80x64xf32, #tpu.memory_space<vmem>>) target(%dma_start3A_141 : memref<10240x64xf32, #tpu.memory_space<vmem_shared>>) offsets(%dma_start3A_138 : memref<80xi32, #tpu.memory_space<vmem>>) semaphore(%arg21 : memref<!tpu.dma_semaphore, #tpu.memory_space<semaphore_mem>>) {add = true}
    %scan3A_142 = arith.constant 0 : i32
    %scan3A_143 = arith.constant 1 : i32
    %scan3A_144 = arith.constant 29 : i32
    %scan3A_145 = arith.addi %scan3A_143, %scan3A_144 : i32
    %scan3A_146 = arith.constant 1 : i32
    scf.for %scan3A_293 = %scan3A_143 to %scan3A_145 step %scan3A_146  : i32 {
      %mul3A_294 = arith.constant 4 : i32
      %mul3A_295 = arith.muli %scan3A_293, %mul3A_294 : i32
      %add3A_296 = arith.constant 0 : i32
      %add3A_297 = arith.addi %mul3A_295, %add3A_296 : i32
      %sub3A = arith.constant 2 : i32
      %sub3A_298 = arith.subi %add3A_297, %sub3A : i32
      %dma_wait3A_299 = arith.constant 0 : i32
      %dma_wait3A_300 = tpu.memref_slice %arg6[%sub3A_298, %dma_wait3A_299] : memref<125x80xi32, #tpu.memory_space<vmem>> -> memref<1x80xi32, #tpu.memory_space<vmem>>
      %dma_wait3A_301 = tpu.memref_squeeze %dma_wait3A_300 : memref<1x80xi32, #tpu.memory_space<vmem>> -> memref<80xi32, #tpu.memory_space<vmem>>
      %dma_wait3A_302 = arith.constant 0 : i32
      %dma_wait3A_303 = arith.constant 0 : i32
      %dma_wait3A_304 = tpu.memref_slice %arg12[%dma_wait3A_302, %dma_wait3A_303] : memref<10240x64xf32, #tpu.memory_space<vmem_shared>> -> memref<10240x64xf32, #tpu.memory_space<vmem_shared>>
      tpu.wait_indirect_dma semaphore(%arg20 : memref<!tpu.dma_semaphore, #tpu.memory_space<semaphore_mem>>) src(%arg9 : memref<80x64xf32, #tpu.memory_space<vmem>>) dst(%dma_wait3A_304 : memref<10240x64xf32, #tpu.memory_space<vmem_shared>>)
      %add3A_305 = arith.constant 2 : i32
      %add3A_306 = arith.addi %add3A_297, %add3A_305 : i32
      %dma_start3A_307 = arith.constant 0 : i32
      %dma_start3A_308 = tpu.memref_slice %arg5[%add3A_306, %dma_start3A_307] : memref<125x80xi32, #tpu.memory_space<vmem>> -> memref<1x80xi32, #tpu.memory_space<vmem>>
      %dma_start3A_309 = tpu.memref_squeeze %dma_start3A_308 : memref<1x80xi32, #tpu.memory_space<vmem>> -> memref<80xi32, #tpu.memory_space<vmem>>
      %dma_start3A_310 = arith.constant 0 : i32
      %dma_start3A_311 = arith.constant 0 : i32
      %dma_start3A_312 = tpu.memref_slice %arg13[%dma_start3A_310, %dma_start3A_311] : memref<10240x64xf32, #tpu.memory_space<vmem_shared>> -> memref<10240x64xf32, #tpu.memory_space<vmem_shared>>
      tpu.enqueue_indirect_dma source(%dma_start3A_312 : memref<10240x64xf32, #tpu.memory_space<vmem_shared>>) target(%arg9 : memref<80x64xf32, #tpu.memory_space<vmem>>) offsets(%dma_start3A_309 : memref<80xi32, #tpu.memory_space<vmem>>) semaphore(%arg16 : memref<!tpu.dma_semaphore, #tpu.memory_space<semaphore_mem>>)
      %dma_wait3A_313 = arith.constant 0 : i32
      %dma_wait3A_314 = tpu.memref_slice %arg5[%add3A_297, %dma_wait3A_313] : memref<125x80xi32, #tpu.memory_space<vmem>> -> memref<1x80xi32, #tpu.memory_space<vmem>>
      %dma_wait3A_315 = tpu.memref_squeeze %dma_wait3A_314 : memref<1x80xi32, #tpu.memory_space<vmem>> -> memref<80xi32, #tpu.memory_space<vmem>>
      %dma_wait3A_316 = arith.constant 0 : i32
      %dma_wait3A_317 = arith.constant 0 : i32
      %dma_wait3A_318 = tpu.memref_slice %arg13[%dma_wait3A_316, %dma_wait3A_317] : memref<10240x64xf32, #tpu.memory_space<vmem_shared>> -> memref<10240x64xf32, #tpu.memory_space<vmem_shared>>
      tpu.wait_indirect_dma semaphore(%arg14 : memref<!tpu.dma_semaphore, #tpu.memory_space<semaphore_mem>>) src(%dma_wait3A_318 : memref<10240x64xf32, #tpu.memory_space<vmem_shared>>) dst(%arg7 : memref<80x64xf32, #tpu.memory_space<vmem>>)
      %dma_start3A_319 = arith.constant 0 : i32
      %dma_start3A_320 = tpu.memref_slice %arg6[%add3A_297, %dma_start3A_319] : memref<125x80xi32, #tpu.memory_space<vmem>> -> memref<1x80xi32, #tpu.memory_space<vmem>>
      %dma_start3A_321 = tpu.memref_squeeze %dma_start3A_320 : memref<1x80xi32, #tpu.memory_space<vmem>> -> memref<80xi32, #tpu.memory_space<vmem>>
      %dma_start3A_322 = arith.constant 0 : i32
      %dma_start3A_323 = arith.constant 0 : i32
      %dma_start3A_324 = tpu.memref_slice %arg12[%dma_start3A_322, %dma_start3A_323] : memref<10240x64xf32, #tpu.memory_space<vmem_shared>> -> memref<10240x64xf32, #tpu.memory_space<vmem_shared>>
      tpu.enqueue_indirect_dma source(%arg7 : memref<80x64xf32, #tpu.memory_space<vmem>>) target(%dma_start3A_324 : memref<10240x64xf32, #tpu.memory_space<vmem_shared>>) offsets(%dma_start3A_321 : memref<80xi32, #tpu.memory_space<vmem>>) semaphore(%arg18 : memref<!tpu.dma_semaphore, #tpu.memory_space<semaphore_mem>>) {add = true}
      %add3A_325 = arith.constant 1 : i32
      %add3A_326 = arith.addi %mul3A_295, %add3A_325 : i32
      %sub3A_327 = arith.constant 2 : i32
      %sub3A_328 = arith.subi %add3A_326, %sub3A_327 : i32
      %dma_wait3A_329 = arith.constant 0 : i32
      %dma_wait3A_330 = tpu.memref_slice %arg6[%sub3A_328, %dma_wait3A_329] : memref<125x80xi32, #tpu.memory_space<vmem>> -> memref<1x80xi32, #tpu.memory_space<vmem>>
      %dma_wait3A_331 = tpu.memref_squeeze %dma_wait3A_330 : memref<1x80xi32, #tpu.memory_space<vmem>> -> memref<80xi32, #tpu.memory_space<vmem>>
      %dma_wait3A_332 = arith.constant 0 : i32
      %dma_wait3A_333 = arith.constant 0 : i32
      %dma_wait3A_334 = tpu.memref_slice %arg12[%dma_wait3A_332, %dma_wait3A_333] : memref<10240x64xf32, #tpu.memory_space<vmem_shared>> -> memref<10240x64xf32, #tpu.memory_space<vmem_shared>>
      tpu.wait_indirect_dma semaphore(%arg21 : memref<!tpu.dma_semaphore, #tpu.memory_space<semaphore_mem>>) src(%arg10 : memref<80x64xf32, #tpu.memory_space<vmem>>) dst(%dma_wait3A_334 : memref<10240x64xf32, #tpu.memory_space<vmem_shared>>)
      %add3A_335 = arith.constant 2 : i32
      %add3A_336 = arith.addi %add3A_326, %add3A_335 : i32
      %dma_start3A_337 = arith.constant 0 : i32
      %dma_start3A_338 = tpu.memref_slice %arg5[%add3A_336, %dma_start3A_337] : memref<125x80xi32, #tpu.memory_space<vmem>> -> memref<1x80xi32, #tpu.memory_space<vmem>>
      %dma_start3A_339 = tpu.memref_squeeze %dma_start3A_338 : memref<1x80xi32, #tpu.memory_space<vmem>> -> memref<80xi32, #tpu.memory_space<vmem>>
      %dma_start3A_340 = arith.constant 0 : i32
      %dma_start3A_341 = arith.constant 0 : i32
      %dma_start3A_342 = tpu.memref_slice %arg13[%dma_start3A_340, %dma_start3A_341] : memref<10240x64xf32, #tpu.memory_space<vmem_shared>> -> memref<10240x64xf32, #tpu.memory_space<vmem_shared>>
      tpu.enqueue_indirect_dma source(%dma_start3A_342 : memref<10240x64xf32, #tpu.memory_space<vmem_shared>>) target(%arg10 : memref<80x64xf32, #tpu.memory_space<vmem>>) offsets(%dma_start3A_339 : memref<80xi32, #tpu.memory_space<vmem>>) semaphore(%arg17 : memref<!tpu.dma_semaphore, #tpu.memory_space<semaphore_mem>>)
      %dma_wait3A_343 = arith.constant 0 : i32
      %dma_wait3A_344 = tpu.memref_slice %arg5[%add3A_326, %dma_wait3A_343] : memref<125x80xi32, #tpu.memory_space<vmem>> -> memref<1x80xi32, #tpu.memory_space<vmem>>
      %dma_wait3A_345 = tpu.memref_squeeze %dma_wait3A_344 : memref<1x80xi32, #tpu.memory_space<vmem>> -> memref<80xi32, #tpu.memory_space<vmem>>
      %dma_wait3A_346 = arith.constant 0 : i32
      %dma_wait3A_347 = arith.constant 0 : i32
      %dma_wait3A_348 = tpu.memref_slice %arg13[%dma_wait3A_346, %dma_wait3A_347] : memref<10240x64xf32, #tpu.memory_space<vmem_shared>> -> memref<10240x64xf32, #tpu.memory_space<vmem_shared>>
      tpu.wait_indirect_dma semaphore(%arg15 : memref<!tpu.dma_semaphore, #tpu.memory_space<semaphore_mem>>) src(%dma_wait3A_348 : memref<10240x64xf32, #tpu.memory_space<vmem_shared>>) dst(%arg8 : memref<80x64xf32, #tpu.memory_space<vmem>>)
      %dma_start3A_349 = arith.constant 0 : i32
      %dma_start3A_350 = tpu.memref_slice %arg6[%add3A_326, %dma_start3A_349] : memref<125x80xi32, #tpu.memory_space<vmem>> -> memref<1x80xi32, #tpu.memory_space<vmem>>
      %dma_start3A_351 = tpu.memref_squeeze %dma_start3A_350 : memref<1x80xi32, #tpu.memory_space<vmem>> -> memref<80xi32, #tpu.memory_space<vmem>>
      %dma_start3A_352 = arith.constant 0 : i32
      %dma_start3A_353 = arith.constant 0 : i32
      %dma_start3A_354 = tpu.memref_slice %arg12[%dma_start3A_352, %dma_start3A_353] : memref<10240x64xf32, #tpu.memory_space<vmem_shared>> -> memref<10240x64xf32, #tpu.memory_space<vmem_shared>>
      tpu.enqueue_indirect_dma source(%arg8 : memref<80x64xf32, #tpu.memory_space<vmem>>) target(%dma_start3A_354 : memref<10240x64xf32, #tpu.memory_space<vmem_shared>>) offsets(%dma_start3A_351 : memref<80xi32, #tpu.memory_space<vmem>>) semaphore(%arg19 : memref<!tpu.dma_semaphore, #tpu.memory_space<semaphore_mem>>) {add = true}
      %add3A_355 = arith.constant 2 : i32
      %add3A_356 = arith.addi %mul3A_295, %add3A_355 : i32
      %sub3A_357 = arith.constant 2 : i32
      %sub3A_358 = arith.subi %add3A_356, %sub3A_357 : i32
      %dma_wait3A_359 = arith.constant 0 : i32
      %dma_wait3A_360 = tpu.memref_slice %arg6[%sub3A_358, %dma_wait3A_359] : memref<125x80xi32, #tpu.memory_space<vmem>> -> memref<1x80xi32, #tpu.memory_space<vmem>>
      %dma_wait3A_361 = tpu.memref_squeeze %dma_wait3A_360 : memref<1x80xi32, #tpu.memory_space<vmem>> -> memref<80xi32, #tpu.memory_space<vmem>>
      %dma_wait3A_362 = arith.constant 0 : i32
      %dma_wait3A_363 = arith.constant 0 : i32
      %dma_wait3A_364 = tpu.memref_slice %arg12[%dma_wait3A_362, %dma_wait3A_363] : memref<10240x64xf32, #tpu.memory_space<vmem_shared>> -> memref<10240x64xf32, #tpu.memory_space<vmem_shared>>
      tpu.wait_indirect_dma semaphore(%arg18 : memref<!tpu.dma_semaphore, #tpu.memory_space<semaphore_mem>>) src(%arg7 : memref<80x64xf32, #tpu.memory_space<vmem>>) dst(%dma_wait3A_364 : memref<10240x64xf32, #tpu.memory_space<vmem_shared>>)
      %add3A_365 = arith.constant 2 : i32
      %add3A_366 = arith.addi %add3A_356, %add3A_365 : i32
      %dma_start3A_367 = arith.constant 0 : i32
      %dma_start3A_368 = tpu.memref_slice %arg5[%add3A_366, %dma_start3A_367] : memref<125x80xi32, #tpu.memory_space<vmem>> -> memref<1x80xi32, #tpu.memory_space<vmem>>
      %dma_start3A_369 = tpu.memref_squeeze %dma_start3A_368 : memref<1x80xi32, #tpu.memory_space<vmem>> -> memref<80xi32, #tpu.memory_space<vmem>>
      %dma_start3A_370 = arith.constant 0 : i32
      %dma_start3A_371 = arith.constant 0 : i32
      %dma_start3A_372 = tpu.memref_slice %arg13[%dma_start3A_370, %dma_start3A_371] : memref<10240x64xf32, #tpu.memory_space<vmem_shared>> -> memref<10240x64xf32, #tpu.memory_space<vmem_shared>>
      tpu.enqueue_indirect_dma source(%dma_start3A_372 : memref<10240x64xf32, #tpu.memory_space<vmem_shared>>) target(%arg7 : memref<80x64xf32, #tpu.memory_space<vmem>>) offsets(%dma_start3A_369 : memref<80xi32, #tpu.memory_space<vmem>>) semaphore(%arg14 : memref<!tpu.dma_semaphore, #tpu.memory_space<semaphore_mem>>)
      %dma_wait3A_373 = arith.constant 0 : i32
      %dma_wait3A_374 = tpu.memref_slice %arg5[%add3A_356, %dma_wait3A_373] : memref<125x80xi32, #tpu.memory_space<vmem>> -> memref<1x80xi32, #tpu.memory_space<vmem>>
      %dma_wait3A_375 = tpu.memref_squeeze %dma_wait3A_374 : memref<1x80xi32, #tpu.memory_space<vmem>> -> memref<80xi32, #tpu.memory_space<vmem>>
      %dma_wait3A_376 = arith.constant 0 : i32
      %dma_wait3A_377 = arith.constant 0 : i32
      %dma_wait3A_378 = tpu.memref_slice %arg13[%dma_wait3A_376, %dma_wait3A_377] : memref<10240x64xf32, #tpu.memory_space<vmem_shared>> -> memref<10240x64xf32, #tpu.memory_space<vmem_shared>>
      tpu.wait_indirect_dma semaphore(%arg16 : memref<!tpu.dma_semaphore, #tpu.memory_space<semaphore_mem>>) src(%dma_wait3A_378 : memref<10240x64xf32, #tpu.memory_space<vmem_shared>>) dst(%arg9 : memref<80x64xf32, #tpu.memory_space<vmem>>)
      %dma_start3A_379 = arith.constant 0 : i32
      %dma_start3A_380 = tpu.memref_slice %arg6[%add3A_356, %dma_start3A_379] : memref<125x80xi32, #tpu.memory_space<vmem>> -> memref<1x80xi32, #tpu.memory_space<vmem>>
      %dma_start3A_381 = tpu.memref_squeeze %dma_start3A_380 : memref<1x80xi32, #tpu.memory_space<vmem>> -> memref<80xi32, #tpu.memory_space<vmem>>
      %dma_start3A_382 = arith.constant 0 : i32
      %dma_start3A_383 = arith.constant 0 : i32
      %dma_start3A_384 = tpu.memref_slice %arg12[%dma_start3A_382, %dma_start3A_383] : memref<10240x64xf32, #tpu.memory_space<vmem_shared>> -> memref<10240x64xf32, #tpu.memory_space<vmem_shared>>
      tpu.enqueue_indirect_dma source(%arg9 : memref<80x64xf32, #tpu.memory_space<vmem>>) target(%dma_start3A_384 : memref<10240x64xf32, #tpu.memory_space<vmem_shared>>) offsets(%dma_start3A_381 : memref<80xi32, #tpu.memory_space<vmem>>) semaphore(%arg20 : memref<!tpu.dma_semaphore, #tpu.memory_space<semaphore_mem>>) {add = true}
      %add3A_385 = arith.constant 3 : i32
      %add3A_386 = arith.addi %mul3A_295, %add3A_385 : i32
      %sub3A_387 = arith.constant 2 : i32
      %sub3A_388 = arith.subi %add3A_386, %sub3A_387 : i32
      %dma_wait3A_389 = arith.constant 0 : i32
      %dma_wait3A_390 = tpu.memref_slice %arg6[%sub3A_388, %dma_wait3A_389] : memref<125x80xi32, #tpu.memory_space<vmem>> -> memref<1x80xi32, #tpu.memory_space<vmem>>
      %dma_wait3A_391 = tpu.memref_squeeze %dma_wait3A_390 : memref<1x80xi32, #tpu.memory_space<vmem>> -> memref<80xi32, #tpu.memory_space<vmem>>
      %dma_wait3A_392 = arith.constant 0 : i32
      %dma_wait3A_393 = arith.constant 0 : i32
      %dma_wait3A_394 = tpu.memref_slice %arg12[%dma_wait3A_392, %dma_wait3A_393] : memref<10240x64xf32, #tpu.memory_space<vmem_shared>> -> memref<10240x64xf32, #tpu.memory_space<vmem_shared>>
      tpu.wait_indirect_dma semaphore(%arg19 : memref<!tpu.dma_semaphore, #tpu.memory_space<semaphore_mem>>) src(%arg8 : memref<80x64xf32, #tpu.memory_space<vmem>>) dst(%dma_wait3A_394 : memref<10240x64xf32, #tpu.memory_space<vmem_shared>>)
      %add3A_395 = arith.constant 2 : i32
      %add3A_396 = arith.addi %add3A_386, %add3A_395 : i32
      %dma_start3A_397 = arith.constant 0 : i32
      %dma_start3A_398 = tpu.memref_slice %arg5[%add3A_396, %dma_start3A_397] : memref<125x80xi32, #tpu.memory_space<vmem>> -> memref<1x80xi32, #tpu.memory_space<vmem>>
      %dma_start3A_399 = tpu.memref_squeeze %dma_start3A_398 : memref<1x80xi32, #tpu.memory_space<vmem>> -> memref<80xi32, #tpu.memory_space<vmem>>
      %dma_start3A_400 = arith.constant 0 : i32
      %dma_start3A_401 = arith.constant 0 : i32
      %dma_start3A_402 = tpu.memref_slice %arg13[%dma_start3A_400, %dma_start3A_401] : memref<10240x64xf32, #tpu.memory_space<vmem_shared>> -> memref<10240x64xf32, #tpu.memory_space<vmem_shared>>
      tpu.enqueue_indirect_dma source(%dma_start3A_402 : memref<10240x64xf32, #tpu.memory_space<vmem_shared>>) target(%arg8 : memref<80x64xf32, #tpu.memory_space<vmem>>) offsets(%dma_start3A_399 : memref<80xi32, #tpu.memory_space<vmem>>) semaphore(%arg15 : memref<!tpu.dma_semaphore, #tpu.memory_space<semaphore_mem>>)
      %dma_wait3A_403 = arith.constant 0 : i32
      %dma_wait3A_404 = tpu.memref_slice %arg5[%add3A_386, %dma_wait3A_403] : memref<125x80xi32, #tpu.memory_space<vmem>> -> memref<1x80xi32, #tpu.memory_space<vmem>>
      %dma_wait3A_405 = tpu.memref_squeeze %dma_wait3A_404 : memref<1x80xi32, #tpu.memory_space<vmem>> -> memref<80xi32, #tpu.memory_space<vmem>>
      %dma_wait3A_406 = arith.constant 0 : i32
      %dma_wait3A_407 = arith.constant 0 : i32
      %dma_wait3A_408 = tpu.memref_slice %arg13[%dma_wait3A_406, %dma_wait3A_407] : memref<10240x64xf32, #tpu.memory_space<vmem_shared>> -> memref<10240x64xf32, #tpu.memory_space<vmem_shared>>
      tpu.wait_indirect_dma semaphore(%arg17 : memref<!tpu.dma_semaphore, #tpu.memory_space<semaphore_mem>>) src(%dma_wait3A_408 : memref<10240x64xf32, #tpu.memory_space<vmem_shared>>) dst(%arg10 : memref<80x64xf32, #tpu.memory_space<vmem>>)
      %dma_start3A_409 = arith.constant 0 : i32
      %dma_start3A_410 = tpu.memref_slice %arg6[%add3A_386, %dma_start3A_409] : memref<125x80xi32, #tpu.memory_space<vmem>> -> memref<1x80xi32, #tpu.memory_space<vmem>>
      %dma_start3A_411 = tpu.memref_squeeze %dma_start3A_410 : memref<1x80xi32, #tpu.memory_space<vmem>> -> memref<80xi32, #tpu.memory_space<vmem>>
      %dma_start3A_412 = arith.constant 0 : i32
      %dma_start3A_413 = arith.constant 0 : i32
      %dma_start3A_414 = tpu.memref_slice %arg12[%dma_start3A_412, %dma_start3A_413] : memref<10240x64xf32, #tpu.memory_space<vmem_shared>> -> memref<10240x64xf32, #tpu.memory_space<vmem_shared>>
      tpu.enqueue_indirect_dma source(%arg10 : memref<80x64xf32, #tpu.memory_space<vmem>>) target(%dma_start3A_414 : memref<10240x64xf32, #tpu.memory_space<vmem_shared>>) offsets(%dma_start3A_411 : memref<80xi32, #tpu.memory_space<vmem>>) semaphore(%arg21 : memref<!tpu.dma_semaphore, #tpu.memory_space<semaphore_mem>>) {add = true}
    }
    %scan3A_147 = arith.constant 29 : i32
    %dma_wait3A_148 = arith.constant 118 : i32
    %dma_wait3A_149 = arith.constant 0 : i32
    %dma_wait3A_150 = tpu.memref_slice %arg6[%dma_wait3A_148, %dma_wait3A_149] : memref<125x80xi32, #tpu.memory_space<vmem>> -> memref<1x80xi32, #tpu.memory_space<vmem>>
    %dma_wait3A_151 = tpu.memref_squeeze %dma_wait3A_150 : memref<1x80xi32, #tpu.memory_space<vmem>> -> memref<80xi32, #tpu.memory_space<vmem>>
    %dma_wait3A_152 = arith.constant 0 : i32
    %dma_wait3A_153 = arith.constant 0 : i32
    %dma_wait3A_154 = tpu.memref_slice %arg12[%dma_wait3A_152, %dma_wait3A_153] : memref<10240x64xf32, #tpu.memory_space<vmem_shared>> -> memref<10240x64xf32, #tpu.memory_space<vmem_shared>>
    tpu.wait_indirect_dma semaphore(%arg20 : memref<!tpu.dma_semaphore, #tpu.memory_space<semaphore_mem>>) src(%arg9 : memref<80x64xf32, #tpu.memory_space<vmem>>) dst(%dma_wait3A_154 : memref<10240x64xf32, #tpu.memory_space<vmem_shared>>)
    %dma_start3A_155 = arith.constant 122 : i32
    %dma_start3A_156 = arith.constant 0 : i32
    %dma_start3A_157 = tpu.memref_slice %arg5[%dma_start3A_155, %dma_start3A_156] : memref<125x80xi32, #tpu.memory_space<vmem>> -> memref<1x80xi32, #tpu.memory_space<vmem>>
    %dma_start3A_158 = tpu.memref_squeeze %dma_start3A_157 : memref<1x80xi32, #tpu.memory_space<vmem>> -> memref<80xi32, #tpu.memory_space<vmem>>
    %dma_start3A_159 = arith.constant 0 : i32
    %dma_start3A_160 = arith.constant 0 : i32
    %dma_start3A_161 = tpu.memref_slice %arg13[%dma_start3A_159, %dma_start3A_160] : memref<10240x64xf32, #tpu.memory_space<vmem_shared>> -> memref<10240x64xf32, #tpu.memory_space<vmem_shared>>
    tpu.enqueue_indirect_dma source(%dma_start3A_161 : memref<10240x64xf32, #tpu.memory_space<vmem_shared>>) target(%arg9 : memref<80x64xf32, #tpu.memory_space<vmem>>) offsets(%dma_start3A_158 : memref<80xi32, #tpu.memory_space<vmem>>) semaphore(%arg16 : memref<!tpu.dma_semaphore, #tpu.memory_space<semaphore_mem>>)
    %dma_wait3A_162 = arith.constant 120 : i32
    %dma_wait3A_163 = arith.constant 0 : i32
    %dma_wait3A_164 = tpu.memref_slice %arg5[%dma_wait3A_162, %dma_wait3A_163] : memref<125x80xi32, #tpu.memory_space<vmem>> -> memref<1x80xi32, #tpu.memory_space<vmem>>
    %dma_wait3A_165 = tpu.memref_squeeze %dma_wait3A_164 : memref<1x80xi32, #tpu.memory_space<vmem>> -> memref<80xi32, #tpu.memory_space<vmem>>
    %dma_wait3A_166 = arith.constant 0 : i32
    %dma_wait3A_167 = arith.constant 0 : i32
    %dma_wait3A_168 = tpu.memref_slice %arg13[%dma_wait3A_166, %dma_wait3A_167] : memref<10240x64xf32, #tpu.memory_space<vmem_shared>> -> memref<10240x64xf32, #tpu.memory_space<vmem_shared>>
    tpu.wait_indirect_dma semaphore(%arg14 : memref<!tpu.dma_semaphore, #tpu.memory_space<semaphore_mem>>) src(%dma_wait3A_168 : memref<10240x64xf32, #tpu.memory_space<vmem_shared>>) dst(%arg7 : memref<80x64xf32, #tpu.memory_space<vmem>>)
    %dma_start3A_169 = arith.constant 120 : i32
    %dma_start3A_170 = arith.constant 0 : i32
    %dma_start3A_171 = tpu.memref_slice %arg6[%dma_start3A_169, %dma_start3A_170] : memref<125x80xi32, #tpu.memory_space<vmem>> -> memref<1x80xi32, #tpu.memory_space<vmem>>
    %dma_start3A_172 = tpu.memref_squeeze %dma_start3A_171 : memref<1x80xi32, #tpu.memory_space<vmem>> -> memref<80xi32, #tpu.memory_space<vmem>>
    %dma_start3A_173 = arith.constant 0 : i32
    %dma_start3A_174 = arith.constant 0 : i32
    %dma_start3A_175 = tpu.memref_slice %arg12[%dma_start3A_173, %dma_start3A_174] : memref<10240x64xf32, #tpu.memory_space<vmem_shared>> -> memref<10240x64xf32, #tpu.memory_space<vmem_shared>>
    tpu.enqueue_indirect_dma source(%arg7 : memref<80x64xf32, #tpu.memory_space<vmem>>) target(%dma_start3A_175 : memref<10240x64xf32, #tpu.memory_space<vmem_shared>>) offsets(%dma_start3A_172 : memref<80xi32, #tpu.memory_space<vmem>>) semaphore(%arg18 : memref<!tpu.dma_semaphore, #tpu.memory_space<semaphore_mem>>) {add = true}
    %dma_wait3A_176 = arith.constant 119 : i32
    %dma_wait3A_177 = arith.constant 0 : i32
    %dma_wait3A_178 = tpu.memref_slice %arg6[%dma_wait3A_176, %dma_wait3A_177] : memref<125x80xi32, #tpu.memory_space<vmem>> -> memref<1x80xi32, #tpu.memory_space<vmem>>
    %dma_wait3A_179 = tpu.memref_squeeze %dma_wait3A_178 : memref<1x80xi32, #tpu.memory_space<vmem>> -> memref<80xi32, #tpu.memory_space<vmem>>
    %dma_wait3A_180 = arith.constant 0 : i32
    %dma_wait3A_181 = arith.constant 0 : i32
    %dma_wait3A_182 = tpu.memref_slice %arg12[%dma_wait3A_180, %dma_wait3A_181] : memref<10240x64xf32, #tpu.memory_space<vmem_shared>> -> memref<10240x64xf32, #tpu.memory_space<vmem_shared>>
    tpu.wait_indirect_dma semaphore(%arg21 : memref<!tpu.dma_semaphore, #tpu.memory_space<semaphore_mem>>) src(%arg10 : memref<80x64xf32, #tpu.memory_space<vmem>>) dst(%dma_wait3A_182 : memref<10240x64xf32, #tpu.memory_space<vmem_shared>>)
    %dma_start3A_183 = arith.constant 123 : i32
    %dma_start3A_184 = arith.constant 0 : i32
    %dma_start3A_185 = tpu.memref_slice %arg5[%dma_start3A_183, %dma_start3A_184] : memref<125x80xi32, #tpu.memory_space<vmem>> -> memref<1x80xi32, #tpu.memory_space<vmem>>
    %dma_start3A_186 = tpu.memref_squeeze %dma_start3A_185 : memref<1x80xi32, #tpu.memory_space<vmem>> -> memref<80xi32, #tpu.memory_space<vmem>>
    %dma_start3A_187 = arith.constant 0 : i32
    %dma_start3A_188 = arith.constant 0 : i32
    %dma_start3A_189 = tpu.memref_slice %arg13[%dma_start3A_187, %dma_start3A_188] : memref<10240x64xf32, #tpu.memory_space<vmem_shared>> -> memref<10240x64xf32, #tpu.memory_space<vmem_shared>>
    tpu.enqueue_indirect_dma source(%dma_start3A_189 : memref<10240x64xf32, #tpu.memory_space<vmem_shared>>) target(%arg10 : memref<80x64xf32, #tpu.memory_space<vmem>>) offsets(%dma_start3A_186 : memref<80xi32, #tpu.memory_space<vmem>>) semaphore(%arg17 : memref<!tpu.dma_semaphore, #tpu.memory_space<semaphore_mem>>)
    %dma_wait3A_190 = arith.constant 121 : i32
    %dma_wait3A_191 = arith.constant 0 : i32
    %dma_wait3A_192 = tpu.memref_slice %arg5[%dma_wait3A_190, %dma_wait3A_191] : memref<125x80xi32, #tpu.memory_space<vmem>> -> memref<1x80xi32, #tpu.memory_space<vmem>>
    %dma_wait3A_193 = tpu.memref_squeeze %dma_wait3A_192 : memref<1x80xi32, #tpu.memory_space<vmem>> -> memref<80xi32, #tpu.memory_space<vmem>>
    %dma_wait3A_194 = arith.constant 0 : i32
    %dma_wait3A_195 = arith.constant 0 : i32
    %dma_wait3A_196 = tpu.memref_slice %arg13[%dma_wait3A_194, %dma_wait3A_195] : memref<10240x64xf32, #tpu.memory_space<vmem_shared>> -> memref<10240x64xf32, #tpu.memory_space<vmem_shared>>
    tpu.wait_indirect_dma semaphore(%arg15 : memref<!tpu.dma_semaphore, #tpu.memory_space<semaphore_mem>>) src(%dma_wait3A_196 : memref<10240x64xf32, #tpu.memory_space<vmem_shared>>) dst(%arg8 : memref<80x64xf32, #tpu.memory_space<vmem>>)
    %dma_start3A_197 = arith.constant 121 : i32
    %dma_start3A_198 = arith.constant 0 : i32
    %dma_start3A_199 = tpu.memref_slice %arg6[%dma_start3A_197, %dma_start3A_198] : memref<125x80xi32, #tpu.memory_space<vmem>> -> memref<1x80xi32, #tpu.memory_space<vmem>>
    %dma_start3A_200 = tpu.memref_squeeze %dma_start3A_199 : memref<1x80xi32, #tpu.memory_space<vmem>> -> memref<80xi32, #tpu.memory_space<vmem>>
    %dma_start3A_201 = arith.constant 0 : i32
    %dma_start3A_202 = arith.constant 0 : i32
    %dma_start3A_203 = tpu.memref_slice %arg12[%dma_start3A_201, %dma_start3A_202] : memref<10240x64xf32, #tpu.memory_space<vmem_shared>> -> memref<10240x64xf32, #tpu.memory_space<vmem_shared>>
    tpu.enqueue_indirect_dma source(%arg8 : memref<80x64xf32, #tpu.memory_space<vmem>>) target(%dma_start3A_203 : memref<10240x64xf32, #tpu.memory_space<vmem_shared>>) offsets(%dma_start3A_200 : memref<80xi32, #tpu.memory_space<vmem>>) semaphore(%arg19 : memref<!tpu.dma_semaphore, #tpu.memory_space<semaphore_mem>>) {add = true}
    %dma_wait3A_204 = arith.constant 120 : i32
    %dma_wait3A_205 = arith.constant 0 : i32
    %dma_wait3A_206 = tpu.memref_slice %arg6[%dma_wait3A_204, %dma_wait3A_205] : memref<125x80xi32, #tpu.memory_space<vmem>> -> memref<1x80xi32, #tpu.memory_space<vmem>>
    %dma_wait3A_207 = tpu.memref_squeeze %dma_wait3A_206 : memref<1x80xi32, #tpu.memory_space<vmem>> -> memref<80xi32, #tpu.memory_space<vmem>>
    %dma_wait3A_208 = arith.constant 0 : i32
    %dma_wait3A_209 = arith.constant 0 : i32
    %dma_wait3A_210 = tpu.memref_slice %arg12[%dma_wait3A_208, %dma_wait3A_209] : memref<10240x64xf32, #tpu.memory_space<vmem_shared>> -> memref<10240x64xf32, #tpu.memory_space<vmem_shared>>
    tpu.wait_indirect_dma semaphore(%arg18 : memref<!tpu.dma_semaphore, #tpu.memory_space<semaphore_mem>>) src(%arg7 : memref<80x64xf32, #tpu.memory_space<vmem>>) dst(%dma_wait3A_210 : memref<10240x64xf32, #tpu.memory_space<vmem_shared>>)
    %dma_start3A_211 = arith.constant 124 : i32
    %dma_start3A_212 = arith.constant 0 : i32
    %dma_start3A_213 = tpu.memref_slice %arg5[%dma_start3A_211, %dma_start3A_212] : memref<125x80xi32, #tpu.memory_space<vmem>> -> memref<1x80xi32, #tpu.memory_space<vmem>>
    %dma_start3A_214 = tpu.memref_squeeze %dma_start3A_213 : memref<1x80xi32, #tpu.memory_space<vmem>> -> memref<80xi32, #tpu.memory_space<vmem>>
    %dma_start3A_215 = arith.constant 0 : i32
    %dma_start3A_216 = arith.constant 0 : i32
    %dma_start3A_217 = tpu.memref_slice %arg13[%dma_start3A_215, %dma_start3A_216] : memref<10240x64xf32, #tpu.memory_space<vmem_shared>> -> memref<10240x64xf32, #tpu.memory_space<vmem_shared>>
    tpu.enqueue_indirect_dma source(%dma_start3A_217 : memref<10240x64xf32, #tpu.memory_space<vmem_shared>>) target(%arg7 : memref<80x64xf32, #tpu.memory_space<vmem>>) offsets(%dma_start3A_214 : memref<80xi32, #tpu.memory_space<vmem>>) semaphore(%arg14 : memref<!tpu.dma_semaphore, #tpu.memory_space<semaphore_mem>>)
    %dma_wait3A_218 = arith.constant 122 : i32
    %dma_wait3A_219 = arith.constant 0 : i32
    %dma_wait3A_220 = tpu.memref_slice %arg5[%dma_wait3A_218, %dma_wait3A_219] : memref<125x80xi32, #tpu.memory_space<vmem>> -> memref<1x80xi32, #tpu.memory_space<vmem>>
    %dma_wait3A_221 = tpu.memref_squeeze %dma_wait3A_220 : memref<1x80xi32, #tpu.memory_space<vmem>> -> memref<80xi32, #tpu.memory_space<vmem>>
    %dma_wait3A_222 = arith.constant 0 : i32
    %dma_wait3A_223 = arith.constant 0 : i32
    %dma_wait3A_224 = tpu.memref_slice %arg13[%dma_wait3A_222, %dma_wait3A_223] : memref<10240x64xf32, #tpu.memory_space<vmem_shared>> -> memref<10240x64xf32, #tpu.memory_space<vmem_shared>>
    tpu.wait_indirect_dma semaphore(%arg16 : memref<!tpu.dma_semaphore, #tpu.memory_space<semaphore_mem>>) src(%dma_wait3A_224 : memref<10240x64xf32, #tpu.memory_space<vmem_shared>>) dst(%arg9 : memref<80x64xf32, #tpu.memory_space<vmem>>)
    %dma_start3A_225 = arith.constant 122 : i32
    %dma_start3A_226 = arith.constant 0 : i32
    %dma_start3A_227 = tpu.memref_slice %arg6[%dma_start3A_225, %dma_start3A_226] : memref<125x80xi32, #tpu.memory_space<vmem>> -> memref<1x80xi32, #tpu.memory_space<vmem>>
    %dma_start3A_228 = tpu.memref_squeeze %dma_start3A_227 : memref<1x80xi32, #tpu.memory_space<vmem>> -> memref<80xi32, #tpu.memory_space<vmem>>
    %dma_start3A_229 = arith.constant 0 : i32
    %dma_start3A_230 = arith.constant 0 : i32
    %dma_start3A_231 = tpu.memref_slice %arg12[%dma_start3A_229, %dma_start3A_230] : memref<10240x64xf32, #tpu.memory_space<vmem_shared>> -> memref<10240x64xf32, #tpu.memory_space<vmem_shared>>
    tpu.enqueue_indirect_dma source(%arg9 : memref<80x64xf32, #tpu.memory_space<vmem>>) target(%dma_start3A_231 : memref<10240x64xf32, #tpu.memory_space<vmem_shared>>) offsets(%dma_start3A_228 : memref<80xi32, #tpu.memory_space<vmem>>) semaphore(%arg20 : memref<!tpu.dma_semaphore, #tpu.memory_space<semaphore_mem>>) {add = true}
    %dma_wait3A_232 = arith.constant 121 : i32
    %dma_wait3A_233 = arith.constant 0 : i32
    %dma_wait3A_234 = tpu.memref_slice %arg6[%dma_wait3A_232, %dma_wait3A_233] : memref<125x80xi32, #tpu.memory_space<vmem>> -> memref<1x80xi32, #tpu.memory_space<vmem>>
    %dma_wait3A_235 = tpu.memref_squeeze %dma_wait3A_234 : memref<1x80xi32, #tpu.memory_space<vmem>> -> memref<80xi32, #tpu.memory_space<vmem>>
    %dma_wait3A_236 = arith.constant 0 : i32
    %dma_wait3A_237 = arith.constant 0 : i32
    %dma_wait3A_238 = tpu.memref_slice %arg12[%dma_wait3A_236, %dma_wait3A_237] : memref<10240x64xf32, #tpu.memory_space<vmem_shared>> -> memref<10240x64xf32, #tpu.memory_space<vmem_shared>>
    tpu.wait_indirect_dma semaphore(%arg19 : memref<!tpu.dma_semaphore, #tpu.memory_space<semaphore_mem>>) src(%arg8 : memref<80x64xf32, #tpu.memory_space<vmem>>) dst(%dma_wait3A_238 : memref<10240x64xf32, #tpu.memory_space<vmem_shared>>)
    %dma_wait3A_239 = arith.constant 123 : i32
    %dma_wait3A_240 = arith.constant 0 : i32
    %dma_wait3A_241 = tpu.memref_slice %arg5[%dma_wait3A_239, %dma_wait3A_240] : memref<125x80xi32, #tpu.memory_space<vmem>> -> memref<1x80xi32, #tpu.memory_space<vmem>>
    %dma_wait3A_242 = tpu.memref_squeeze %dma_wait3A_241 : memref<1x80xi32, #tpu.memory_space<vmem>> -> memref<80xi32, #tpu.memory_space<vmem>>
    %dma_wait3A_243 = arith.constant 0 : i32
    %dma_wait3A_244 = arith.constant 0 : i32
    %dma_wait3A_245 = tpu.memref_slice %arg13[%dma_wait3A_243, %dma_wait3A_244] : memref<10240x64xf32, #tpu.memory_space<vmem_shared>> -> memref<10240x64xf32, #tpu.memory_space<vmem_shared>>
    tpu.wait_indirect_dma semaphore(%arg17 : memref<!tpu.dma_semaphore, #tpu.memory_space<semaphore_mem>>) src(%dma_wait3A_245 : memref<10240x64xf32, #tpu.memory_space<vmem_shared>>) dst(%arg10 : memref<80x64xf32, #tpu.memory_space<vmem>>)
    %dma_start3A_246 = arith.constant 123 : i32
    %dma_start3A_247 = arith.constant 0 : i32
    %dma_start3A_248 = tpu.memref_slice %arg6[%dma_start3A_246, %dma_start3A_247] : memref<125x80xi32, #tpu.memory_space<vmem>> -> memref<1x80xi32, #tpu.memory_space<vmem>>
    %dma_start3A_249 = tpu.memref_squeeze %dma_start3A_248 : memref<1x80xi32, #tpu.memory_space<vmem>> -> memref<80xi32, #tpu.memory_space<vmem>>
    %dma_start3A_250 = arith.constant 0 : i32
    %dma_start3A_251 = arith.constant 0 : i32
    %dma_start3A_252 = tpu.memref_slice %arg12[%dma_start3A_250, %dma_start3A_251] : memref<10240x64xf32, #tpu.memory_space<vmem_shared>> -> memref<10240x64xf32, #tpu.memory_space<vmem_shared>>
    tpu.enqueue_indirect_dma source(%arg10 : memref<80x64xf32, #tpu.memory_space<vmem>>) target(%dma_start3A_252 : memref<10240x64xf32, #tpu.memory_space<vmem_shared>>) offsets(%dma_start3A_249 : memref<80xi32, #tpu.memory_space<vmem>>) semaphore(%arg21 : memref<!tpu.dma_semaphore, #tpu.memory_space<semaphore_mem>>) {add = true}
    %dma_wait3A_253 = arith.constant 122 : i32
    %dma_wait3A_254 = arith.constant 0 : i32
    %dma_wait3A_255 = tpu.memref_slice %arg6[%dma_wait3A_253, %dma_wait3A_254] : memref<125x80xi32, #tpu.memory_space<vmem>> -> memref<1x80xi32, #tpu.memory_space<vmem>>
    %dma_wait3A_256 = tpu.memref_squeeze %dma_wait3A_255 : memref<1x80xi32, #tpu.memory_space<vmem>> -> memref<80xi32, #tpu.memory_space<vmem>>
    %dma_wait3A_257 = arith.constant 0 : i32
    %dma_wait3A_258 = arith.constant 0 : i32
    %dma_wait3A_259 = tpu.memref_slice %arg12[%dma_wait3A_257, %dma_wait3A_258] : memref<10240x64xf32, #tpu.memory_space<vmem_shared>> -> memref<10240x64xf32, #tpu.memory_space<vmem_shared>>
    tpu.wait_indirect_dma semaphore(%arg20 : memref<!tpu.dma_semaphore, #tpu.memory_space<semaphore_mem>>) src(%arg9 : memref<80x64xf32, #tpu.memory_space<vmem>>) dst(%dma_wait3A_259 : memref<10240x64xf32, #tpu.memory_space<vmem_shared>>)
    %dma_wait3A_260 = arith.constant 124 : i32
    %dma_wait3A_261 = arith.constant 0 : i32
    %dma_wait3A_262 = tpu.memref_slice %arg5[%dma_wait3A_260, %dma_wait3A_261] : memref<125x80xi32, #tpu.memory_space<vmem>> -> memref<1x80xi32, #tpu.memory_space<vmem>>
    %dma_wait3A_263 = tpu.memref_squeeze %dma_wait3A_262 : memref<1x80xi32, #tpu.memory_space<vmem>> -> memref<80xi32, #tpu.memory_space<vmem>>
    %dma_wait3A_264 = arith.constant 0 : i32
    %dma_wait3A_265 = arith.constant 0 : i32
    %dma_wait3A_266 = tpu.memref_slice %arg13[%dma_wait3A_264, %dma_wait3A_265] : memref<10240x64xf32, #tpu.memory_space<vmem_shared>> -> memref<10240x64xf32, #tpu.memory_space<vmem_shared>>
    tpu.wait_indirect_dma semaphore(%arg14 : memref<!tpu.dma_semaphore, #tpu.memory_space<semaphore_mem>>) src(%dma_wait3A_266 : memref<10240x64xf32, #tpu.memory_space<vmem_shared>>) dst(%arg7 : memref<80x64xf32, #tpu.memory_space<vmem>>)
    %dma_start3A_267 = arith.constant 124 : i32
    %dma_start3A_268 = arith.constant 0 : i32
    %dma_start3A_269 = tpu.memref_slice %arg6[%dma_start3A_267, %dma_start3A_268] : memref<125x80xi32, #tpu.memory_space<vmem>> -> memref<1x80xi32, #tpu.memory_space<vmem>>
    %dma_start3A_270 = tpu.memref_squeeze %dma_start3A_269 : memref<1x80xi32, #tpu.memory_space<vmem>> -> memref<80xi32, #tpu.memory_space<vmem>>
    %dma_start3A_271 = arith.constant 0 : i32
    %dma_start3A_272 = arith.constant 0 : i32
    %dma_start3A_273 = tpu.memref_slice %arg12[%dma_start3A_271, %dma_start3A_272] : memref<10240x64xf32, #tpu.memory_space<vmem_shared>> -> memref<10240x64xf32, #tpu.memory_space<vmem_shared>>
    tpu.enqueue_indirect_dma source(%arg7 : memref<80x64xf32, #tpu.memory_space<vmem>>) target(%dma_start3A_273 : memref<10240x64xf32, #tpu.memory_space<vmem_shared>>) offsets(%dma_start3A_270 : memref<80xi32, #tpu.memory_space<vmem>>) semaphore(%arg18 : memref<!tpu.dma_semaphore, #tpu.memory_space<semaphore_mem>>) {add = true}
    %dma_wait3A_274 = arith.constant 123 : i32
    %dma_wait3A_275 = arith.constant 0 : i32
    %dma_wait3A_276 = tpu.memref_slice %arg6[%dma_wait3A_274, %dma_wait3A_275] : memref<125x80xi32, #tpu.memory_space<vmem>> -> memref<1x80xi32, #tpu.memory_space<vmem>>
    %dma_wait3A_277 = tpu.memref_squeeze %dma_wait3A_276 : memref<1x80xi32, #tpu.memory_space<vmem>> -> memref<80xi32, #tpu.memory_space<vmem>>
    %dma_wait3A_278 = arith.constant 0 : i32
    %dma_wait3A_279 = arith.constant 0 : i32
    %dma_wait3A_280 = tpu.memref_slice %arg12[%dma_wait3A_278, %dma_wait3A_279] : memref<10240x64xf32, #tpu.memory_space<vmem_shared>> -> memref<10240x64xf32, #tpu.memory_space<vmem_shared>>
    tpu.wait_indirect_dma semaphore(%arg21 : memref<!tpu.dma_semaphore, #tpu.memory_space<semaphore_mem>>) src(%arg10 : memref<80x64xf32, #tpu.memory_space<vmem>>) dst(%dma_wait3A_280 : memref<10240x64xf32, #tpu.memory_space<vmem_shared>>)
    %dma_wait3A_281 = arith.constant 124 : i32
    %dma_wait3A_282 = arith.constant 0 : i32
    %dma_wait3A_283 = tpu.memref_slice %arg6[%dma_wait3A_281, %dma_wait3A_282] : memref<125x80xi32, #tpu.memory_space<vmem>> -> memref<1x80xi32, #tpu.memory_space<vmem>>
    %dma_wait3A_284 = tpu.memref_squeeze %dma_wait3A_283 : memref<1x80xi32, #tpu.memory_space<vmem>> -> memref<80xi32, #tpu.memory_space<vmem>>
    %dma_wait3A_285 = arith.constant 0 : i32
    %dma_wait3A_286 = arith.constant 0 : i32
    %dma_wait3A_287 = tpu.memref_slice %arg12[%dma_wait3A_285, %dma_wait3A_286] : memref<10240x64xf32, #tpu.memory_space<vmem_shared>> -> memref<10240x64xf32, #tpu.memory_space<vmem_shared>>
    tpu.wait_indirect_dma semaphore(%arg18 : memref<!tpu.dma_semaphore, #tpu.memory_space<semaphore_mem>>) src(%arg7 : memref<80x64xf32, #tpu.memory_space<vmem>>) dst(%dma_wait3A_287 : memref<10240x64xf32, #tpu.memory_space<vmem_shared>>)
    %barrier3A_288 = arith.constant 0 : index
    tpu.barrier barrier_id(%barrier3A_288)
    %mul3A_289 = arith.constant 640 : i32
    %mul3A_290 = arith.muli %arg1, %mul3A_289 : i32
    %mul3A_291 = arith.constant 640 : i32
    %mul3A_292 = arith.muli %arg1, %mul3A_291 : i32
    "tpu.region"() ({
      %run_scoped3A_293 = tpu.sem_alloc : memref<!tpu.dma_semaphore, #tpu.memory_space<semaphore_mem>>
      %dma_start3A_294 = arith.constant 0 : i32
      %dma_start3A_295 = tpu.memref_slice %arg4[%arg0, %mul3A_292, %dma_start3A_294] : memref<2x10240x64xf32, #tpu.memory_space<hbm>> -> memref<1x640x64xf32, #tpu.memory_space<hbm>>
      %dma_start3A_296 = tpu.memref_squeeze %dma_start3A_295 : memref<1x640x64xf32, #tpu.memory_space<hbm>> -> memref<640x64xf32, #tpu.memory_space<hbm>>
      %dma_start3A_297 = arith.constant 0 : i32
      %dma_start3A_298 = tpu.memref_slice %arg12[%mul3A_290, %dma_start3A_297] : memref<10240x64xf32, #tpu.memory_space<vmem_shared>> -> memref<640x64xf32, #tpu.memory_space<vmem_shared>>
      tpu.enqueue_dma source(%dma_start3A_298 : memref<640x64xf32, #tpu.memory_space<vmem_shared>>) target(%dma_start3A_296 : memref<640x64xf32, #tpu.memory_space<hbm>>) target_semaphore(%run_scoped3A_293 : memref<!tpu.dma_semaphore, #tpu.memory_space<semaphore_mem>>)
      %dma_wait3A_299 = arith.constant 0 : i32
      %dma_wait3A_300 = tpu.memref_slice %arg4[%arg0, %mul3A_292, %dma_wait3A_299] : memref<2x10240x64xf32, #tpu.memory_space<hbm>> -> memref<1x640x64xf32, #tpu.memory_space<hbm>>
      %dma_wait3A_301 = tpu.memref_squeeze %dma_wait3A_300 : memref<1x640x64xf32, #tpu.memory_space<hbm>> -> memref<640x64xf32, #tpu.memory_space<hbm>>
      %dma_wait3A_302 = arith.constant 0 : i32
      %dma_wait3A_303 = tpu.memref_slice %arg12[%mul3A_290, %dma_wait3A_302] : memref<10240x64xf32, #tpu.memory_space<vmem_shared>> -> memref<640x64xf32, #tpu.memory_space<vmem_shared>>
      tpu.wait_dma2 semaphore(%run_scoped3A_293 : memref<!tpu.dma_semaphore, #tpu.memory_space<semaphore_mem>>) src(%dma_wait3A_303 : memref<640x64xf32, #tpu.memory_space<vmem_shared>>) dst(%dma_wait3A_301 : memref<640x64xf32, #tpu.memory_space<hbm>>)
      tpu.yield
    }) : () -> ()
    return
  }
}

</mosaic_0001>

<sc_bundles>
// kernel: wrapper.3.cloned.1.call-start
scs
__scs_entry_jumppad:
0x0: {  	(pc) =	sbr.rel $0x88, $3  }
0x1: {  	(tag) =	ssettag $0x0;
	lr =	simm.s32 $0x1  }
0x2: {  	[smem:$0x3F9F] =	sst lr;
	_ =	strace $0xD0000000  }
0x3: {  	_ = 	snop  }
0x4: {  	_ = 	snop  }
0x5: {  	_ = 	snop  }
0x6: {  	_ = 	snop  }
0x7: {  	_ = 	snop  }
__scs_overlays_trampoline_lowered:
0x8: {  	[smem:$0x3FAE] =	sst s0  }
0x9: {  	[smem:$0x3FAF] =	sst s1  }
0xa: {  	[smem:$0x3FB0] =	sst s2  }
0xb: {  	[smem:$0x3FB1] =	sst s3  }
0xc: {  	[smem:$0x3FB2] =	sst s4  }
0xd: {  	[smem:$0x3FB3] =	sst s5  }
0xe: {  	[smem:$0x3FB4] =	sst s6  }
0xf: {  	[smem:$0x3FB5] =	sst s7  }
0x10: {  	[smem:$0x3FB6] =	sst s8  }
0x11: {  	[smem:$0x3FB7] =	sst s9;
	s0 =	simm.s32 @!p0 $0x0  }
0x12: {  	s1 =	sld [smem:$0x3F9D];
	s0 =	simm.s32 @p0 $0x1  }
0x13: {  	[smem:$0x3FB8] =	sst s0;
	s0 =	simm.s32 @!p1 $0x0  }
0x14: {  	s2 =	sld [smem:$0x3F9C];
	s0 =	simm.s32 @p1 $0x1  }
0x15: {  	[smem:$0x3FB9] =	sst s0;
	s0 =	simm.s32 @!p2 $0x0  }
0x16: {  	s3 =	sld [smem:$0x3FDB];
	s0 =	simm.s32 @p2 $0x1  }
0x17: {  	s4 =	simm.s32 $0x1BF5;
	[smem:$0x3FBB] =	sst s0  }
0x18: {  	s0 =	sld [smem:$0x3F9E];
	_ =	swait.ge [sflag:s4], $0x0  }
0x19: {  	s7 =	sld [smem:$0x3F9F]  }
0x1a: {  	s8 =	sadd.s32 $0xFFFFE003, lr  }
0x1b: {  	s9 =	sadd.s32 $0xFFFFFEF7, lr;
	s5 =	simm.s32 $0xFFFFFFFF;
	p2 =	slt.u32 s8, $0xFFFFF086  }
0x1c: {  	p1 =	slt.u32 s9, $0xF7A;
	s5 =	simm.s32 @!p2 $0x0  }
0x1d: {  	s5 =	simm.s32 @p1 $0x1;
	p0 =	seq.s32 s7, s2  }
0x1e: {  	s7 =	smul.u32 @!p0 $0xF7A, s2;
	p2 =	seq.s32 @!p0 s5, $0x0  }
0x1f: {  	s9 =	smul.u32 $0xF7A, s1;
	s8 =	simm.s32 @!p0 $0x1BF5;
	p2 =	por !p2, p0  }
0x20: {  	[sflag:s8] =	ssyncset.s32 @!p0 $0xFFFFF086;
	s6 =	sadd.s32 @!p0 s3, s7;
	s7 =	simm.s32 @!p0 $0x108  }
0x21: {  	s3 =	sadd.s32 s3, s9;
	s6 =	sadd.s32 @!p0 $0x88, s6;
	s7 =	simm.s32 @p2 $0x1082  }
0x22: {  	[simem:s7], [sflag:s8] =	dma.local @!p0 [hbm:s6], $0xF7A  }
0x23: {  	s9 =	sor.u32 $0xD0000000, s2;
	s6 =	simm.s32 $0x108;
	_ =	swait.ge @!p0 [sflag:s8], $0x0  }
0x24: {  	s3 =	sadd.s32 $0x88, s3;
	s6 =	simm.s32 @!p1 $0x1082;
	[sflag:s4] =	ssyncset.s32 $0xFFFFF086  }
0x25: {  	[simem:s6], [sflag:s4] =	dma.local [hbm:s3], $0xF7A  }
0x26: {  	[smem:$0x3F9F] =	sst s1;
	(tag) =	ssettag s2;
	_ =	strace s9  }
0x27: {  	s1 =	sld [smem:$0x3FAF]  }
0x28: {  	s2 =	sld [smem:$0x3FB0]  }
0x29: {  	s4 =	sld [smem:$0x3FB2]  }
0x2a: {  	p0 =	seq.s32 s5, $0x0;
	s5 =	sld [smem:$0x3FB3]  }
0x2b: {  	s6 =	sld [smem:$0x3FB4]  }
0x2c: {  	s7 =	sld [smem:$0x3FB5]  }
0x2d: {  	s3 =	simm.s32 $0x108;
	s8 =	sld [smem:$0x3FB6]  }
0x2e: {  	s3 =	simm.s32 @!p0 $0x1082;
	s9 =	sld [smem:$0x3FB7]  }
0x2f: {  	lr =	sadd.s32 s0, s3;
	s0 =	sld [smem:$0x3FAE]  }
0x30: {  	s3 =	sld [smem:$0x3FB1]  }
0x31: {  	[smem:$0x3FBA] =	sst s10  }
0x32: {  	s10 =	sld [smem:$0x3FB8];
	_ =	sdelay $0x3  }
0x33: {  	p0 =	seq.s32 s10, $0x1;
	s10 =	sld [smem:$0x3FBA];
	_ =	sdelay $0x3  }
0x34: {  	[smem:$0x3FBA] =	sst s10  }
0x35: {  	s10 =	sld [smem:$0x3FB9];
	_ =	sdelay $0x3  }
0x36: {  	p1 =	seq.s32 s10, $0x1;
	s10 =	sld [smem:$0x3FBA];
	_ =	sdelay $0x3  }
0x37: {  	[smem:$0x3FBA] =	sst s10  }
0x38: {  	s10 =	sld [smem:$0x3FBB]  }
0x39: {  	_ = 	snop;
	(pc) =	sbr.ind lr, $3  }
0x3a: {  	_ = 	snop  }
0x3b: {  	_ = 	snop  }
0x3c: {  	p2 =	seq.s32 s10, $0x1;
	s10 =	sld [smem:$0x3FBA]  }
0x3d: {  	_ =	shalt  }
0x3e: {  	_ =	shalt  }
0x3f: {  	_ =	shalt  }
0x40: {  	_ =	shalt  }
0x41: {  	_ =	shalt  }
0x42: {  	_ =	shalt  }
0x43: {  	_ =	shalt  }
0x44: {  	_ =	shalt  }
0x45: {  	_ =	shalt  }
0x46: {  	_ =	shalt  }
0x47: {  	_ =	shalt  }
0x48: {  	_ =	shalt  }
0x49: {  	_ =	shalt  }
0x4a: {  	_ =	shalt  }
0x4b: {  	_ =	shalt  }
0x4c: {  	_ =	shalt  }
0x4d: {  	_ =	shalt  }
0x4e: {  	_ =	shalt  }
0x4f: {  	_ =	shalt  }
0x50: {  	_ =	shalt  }
0x51: {  	_ =	shalt  }
0x52: {  	_ =	shalt  }
0x53: {  	_ =	shalt  }
0x54: {  	_ =	shalt  }
0x55: {  	_ =	shalt  }
0x56: {  	_ =	shalt  }
0x57: {  	_ =	shalt  }
0x58: {  	_ =	shalt  }
0x59: {  	_ =	shalt  }
0x5a: {  	_ =	shalt  }
0x5b: {  	_ =	shalt  }
0x5c: {  	_ =	shalt  }
0x5d: {  	_ =	shalt  }
0x5e: {  	_ =	shalt  }
0x5f: {  	_ =	shalt  }
0x60: {  	_ =	shalt  }
0x61: {  	_ =	shalt  }
0x62: {  	_ =	shalt  }
0x63: {  	_ =	shalt  }
0x64: {  	_ =	shalt  }
0x65: {  	_ =	shalt  }
0x66: {  	_ =	shalt  }
0x67: {  	_ =	shalt  }
0x68: {  	_ =	shalt  }
0x69: {  	_ =	shalt  }
0x6a: {  	_ =	shalt  }
0x6b: {  	_ =	shalt  }
0x6c: {  	_ =	shalt  }
0x6d: {  	_ =	shalt  }
0x6e: {  	_ =	shalt  }
0x6f: {  	_ =	shalt  }
0x70: {  	_ =	shalt  }
0x71: {  	_ =	shalt  }
0x72: {  	_ =	shalt  }
0x73: {  	_ =	shalt  }
0x74: {  	_ =	shalt  }
0x75: {  	_ =	shalt  }
0x76: {  	_ =	shalt  }
0x77: {  	_ =	shalt  }
0x78: {  	_ =	shalt  }
0x79: {  	_ =	shalt  }
0x7a: {  	_ =	shalt  }
0x7b: {  	_ =	shalt  }
0x7c: {  	_ =	shalt  }
0x7d: {  	_ =	shalt  }
0x7e: {  	_ =	shalt  }
0x7f: {  	_ =	shalt  }
0x80: {  	_ =	shalt  }
0x81: {  	_ =	shalt  }
0x82: {  	_ =	shalt  }
0x83: {  	_ =	shalt  }
0x84: {  	_ =	shalt  }
0x85: {  	_ =	shalt  }
0x86: {  	_ =	shalt  }
0x87: {  	_ =	shalt  }
.Lfunc_end0:
.L_simem_size_0:
called_computation_lowered:
.L_overlay_start_0:
0x88: {  	s2 =	sld [smem:$0x3FD9]  }
0x89: {  	s3 =	sld [smem:$0x3FFE];
	_ =	sdelay $0x1  }
0x8a: {  	s1 =	srdreg.scid  }
0x8b: {  	s0 =	sand.u32 $0x1, s1  }
0x8c: {  	s17 =	sshll.u32 s0, $0xA;
	s2 =	sadd.s32 s3, s2  }
0x8d: {  	s2 =	sadd.s32 s2, s17  }
0x8e: {  	[smem:$0x3FC6] =	sst s2  }
0x8f: {  	_ = 	snop  }
0x90: {  	s2 =	sld [smem:$0x3FD0];
	(tm) =	ssettm $0x1  }
0x91: {  	s18 =	sld [smem:$0x3FFB];
	_ =	sdelay $0x3  }
0x92: {  	_ =	strace s18  }
0x93: {  	s3 =	sld [smem:$0x3FFC];
	_ =	sdelay $0x3  }
0x94: {  	_ =	strace s3  }
0x95: {  	s3 =	sld [smem:$0x3FFD];
	_ =	sdelay $0x3  }
0x96: {  	_ =	strace s3  }
0x97: {  	_ =	strace $0x8FFFFFFF  }
0x98: {  	s19 =	sld [smem:$0x3FDB];
	_ =	sdelay $0x1  }
0x99: {  	s4 =	simm.s32 $_scs_section_size  }
0x9a: {  	s5 =	simm.s32 $_size__tile_overlayer_lowered;
	s6 =	simm.s32 $_tile_overlayer_lowered  }
0x9b: {  	s22 =	simm.s32 $0x1BFF;
	s21 =	sshll.u32 s6, $0x1;
	s3 =	sadd.s32 s4, s19  }
0x9c: {  	s7 =	simm.s32 $0x0;
	s20 =	sshll.u32 s5, $0x1;
	s5 =	sadd.s32 s21, s3  }
0x9d: {  	[timem:s7], [sflag:s22] =	dma.local [hbm:s5], s20  }
0x9e: {  	_ =	swait.ge [sflag:s22], s20  }
0x9f: {  	s4 =	ssub.s32 $0x0, s20;
	[sflag:s22] =	ssyncset.done $0x0  }
0xa0: {  	[sflag:s22] =	ssyncadd.s32 s4;
	_ =	sdelay $0x1  }
0xa1: {  	s23 =	simm.s32 $0x1B8B  }
0xa2: {  	_ =	swait.ge [sflag:s23], $0x1  }
0xa3: {  	[sflag:s23] =	ssyncset.done $0x0  }
0xa4: {  	s25 =	simm.s32 $0x1B8E;
	s24 =	sld [smem:$0x3FFE];
	[sflag:s23] =	ssyncadd.s32 $0xFFFFFFFF  }
0xa5: {  	s26 =	simm.s32 $execute0_lowered;
	[smem:$0x3FD2] =	sst s25  }
0xa6: {  	s5 =	sshll.u32 s26, $0x1;
	_ =	strace $0x80000046;
	[dreg:$0x1] =	wrdreg $0xFFFFFFFF  }
0xa7: {  	s28 =	simm.s32 $_size_execute0_lowered;
	s3 =	sadd.s32 s3, s5;
	[dreg:$0x0] =	wrdreg $0x0  }
0xa8: {  	s5 =	sshll.u32 s28, $0x1;
	[dreg:$0x2] =	wrdreg s3  }
0xa9: {  	[dreg:$0x3] =	wrdreg s5  }
0xaa: {  	[dreg:$0x4] =	wrdreg $0xC0  }
0xab: {  	_ =	task [dreg:s7], $0x5FFFF  }
0xac: {  	[dreg:$0x1] =	wrdreg $0xFFFFFFFF  }
0xad: {  	[dreg:$0x0] =	wrdreg $0x60  }
0xae: {  	[dreg:$0x2] =	wrdreg s24  }
0xaf: {  	[dreg:$0x3] =	wrdreg s2  }
0xb0: {  	[dreg:$0x4] =	wrdreg $0x15E200  }
0xb1: {  	[dreg:$0x5] =	wrdreg $0xBE200  }
0xb2: {  	[dreg:$0x6] =	wrdreg $0x9  }
0xb3: {  	_ =	task.clear_ibuf [dreg:s7], $0x7FFFF;
	_ =	strace $0x90000046  }
0xb4: {  	s29 =	simm.s32 $0x9;
	_ =	strace $0x80000048  }
0xb5: {  	_ =	swait.ge [sflag:s29], $0x1  }
0xb6: {  	[sflag:s29] =	ssyncadd.s32 $0xFFFFFFFF  }
0xb7: {  	_ =	strace $0x90000048  }
0xb8: {  	_ =	sfence  }
0xb9: {  	s30 =	sld [smem:$0x0];
	_ =	sdelay $0x2  }
0xba: {  	s31 =	sshll.u32 s1, $0xD;
	s1 =	sshrl.u32 s1, $0x2  }
0xbb: {  	s3 =	sand.u32 $0x4000, s31;
	s1 =	sadd.s32 s1, s30  }
0xbc: {  	s0 =	sor.u32 s3, s0;
	s1 =	sshll.u32 s1, $0x11  }
0xbd: {  	s0 =	sor.u32 s1, s0  }
0xbe: {  	s0 =	sadd.s32 $0x8F2B, s0  }
0xbf: {  	[sflag:s0] =	ssyncadd.remote.s32 $0x1  }
0xc0: {  	_ =	sfence.sel $0xFFFF  }
0xc1: {  	[dreg:$0x0] =	wrdreg $0xFFFFFFFF;
	(pc) =	sbr.abs _section_cstart, $3  }
0xc2: {  	[dreg:$0x1] =	wrdreg $0xFFFFFFFF  }
0xc3: {  	_ =	task.clear_ibuf [dreg:s7], $0x2FFFF;
	_ =	strace $0x9FFFFFFF  }
0xc4: {  	(tm) =	ssettm $0x7FFFFFFF  }
0xc5: {  	_ =	shalt  }
tec
execute0_lowered:
.L_overlay_start_1:
0x0: {  	(tag) =	ssettag $0x1  }
0x1: {  	s0 =	rddreg [dreg:$0x0]  }
0x2: {  	s2 =	rddreg [dreg:$0x1]  }
0x3: {  	s1 =	rddreg [dreg:$0x2];
	s4 =	srdreg.scid  }
0x4: {  	s3 =	rddreg [dreg:$0x3];
	s11 =	stileid.u32  }
0x5: {  	s17 =	simm.s32 $0x9;
	s18 =	simm.s32 $0x9E20;
	s19 =	simm.s32 $0x2710  }
0x6: {  	s20 =	simm.s32 $0x50;
	s28 =	simm.s32 $0x8A20;
	s29 =	simm.s32 $0x2  }
0x7: {  	s31 =	simm.s32 $0x5;
	s30 =	simm.s32 $0x7;
	s8 =	smul.u32 $0xA000, s11  }
0x8: {  	s5 =	sand.u32 $0x1, s4;
	s4 =	simm.s32 $0x0;
	s10 =	smul.u32 $0x28000, s11  }
0x9: {  	s23 =	sshll.u32 s11, $0x6;
	s6 =	sshll.u32 s5, $0x4;
	[smem:$0x7FF] =	sst s4  }
0xa: {  	s9 =	ssub.s32 $0x2, s5;
	s5 =	smul.u32 $0xA0000, s5;
	s6 =	sor.u32 s11, s6  }
0xb: {  	_ =	strace $0x80000047;
	s7 =	sshrl.u32 s8, $0x3;
	s21 =	sshrl.u32 s9, $0x1  }
0xc: {  	s16 =	sadd.s32 s8, s1;
	s24 =	sshrl.u32 s10, $0x2;
	s6 =	smul.u32 $0x2710, s6  }
0xd: {  	s7 =	sadd.s32 s7, s0;
	s15 =	ssub.s32 s9, s21;
	s25 =	sadd.s32 s24, s3  }
0xe: {  	s5 =	sadd.s32 s8, s5;
	s16 =	sshrl.u32 s16, $0x3;
	s21 =	simm.s32 $0x4E20  }
0xf: {  	s24 =	simm.s32 $0x7620;
	s22 =	sadd.s32 $0x14000, s7;
	s7 =	sadd.s32 s8, s3  }
0x10: {  	s9 =	sadd.s32 $0x2000, s25;
	s26 =	sadd.s32 $0x4000, s25;
	s10 =	sadd.s32 $0x6000, s25  }
0x11: {  	s11 =	sadd.s32 $0x8000, s25;
	s5 =	sshrl.u32 s5, $0x3;
	[dreg:$0x5] =	wrdreg s22  }
0x12: {  	s15 =	smax.u32 s15, $0x1;
	s25 =	simm.s32 $0x1;
	[dreg:$0x6] =	wrdreg s9  }
0x13: {  	s6 =	sshrl.u32 s6, $0x3;
	[dreg:$0x7] =	wrdreg s26;
	s14 =	sadd.s32 s2, s5  }
0x14: {  	s22 =	simm.s32 $0x6220;
	s2 =	simm.s32 $0x3;
	s26 =	simm.s32 $0x6  }
0x15: {  	s0 =	sadd.s32 s6, s0;
	s6 =	sor.u32 $0x1C09, s23;
	s23 =	simm.s32 $0x8  }
0x16: {  	v0 =	vimm.f32 $0.0e+00;
	s12 =	sadd.s32 $0x600, s0;
	s13 =	sadd.s32 $0xA240, s0;
	s0 =	simm.s32 $0x4  }
.LBB2_1:
0x17: {  	s5 =	rddreg [dreg:$0x5]  }
0x18: {  	[spmem:s16], [sflag:s6] =	dma.local [hbm:s5], $0x1400  }
0x19: {  	_ =	swait.ge [sflag:s17], $0x1400  }
0x1a: {  	[sflag:s17] =	ssyncset.done $0x0  }
0x1b: {  	s8 =	simm.s32 $0x100;
	s5 =	simm.s32 $0x0;
	[sflag:s17] =	ssyncadd.s32 $0xFFFFEC00  }
.LBB2_2:
0x1c: {  	p0 =	sne.s32 s8, $0x7F00;
	[tilespmem:s5+$0x9E50] =	vst v0;
	s9 =	smov.u32 s8;
	s8 =	sadd.s32 $0x100, s8  }
.Ltmp0:
0x1d: {  	[tilespmem:s5+$0x9E40] =	vst v0;
	(pc) =	sbr.rel @p0 .LBB2_2-.Ltmp0, $3  }
0x1e: {  	[tilespmem:s5+$0x9E20] =	vst v0  }
0x1f: {  	[tilespmem:s5+$0x9E30] =	vst v0;
	_ =	sdelay $0x1  }
0x20: {  	s5 =	sshra.s32 s9, $0x2  }
0x21: {  	[tilespmem:s5+$0x9E50] =	vst v0  }
0x22: {  	[tilespmem:s5+$0x9E40] =	vst v0  }
0x23: {  	[tilespmem:s5+$0x9E20] =	vst v0  }
0x24: {  	[tilespmem:s5+$0x9E30] =	vst v0  }
0x25: {  	[spmem:s7] =	stream.linear.scatter [tilespmem:s18], [sflag:$0x9], $0x2000, $0x38;
	[tilespmem:$0x1FE20] =	vst v63  }
0x26: {  	_ =	swait.ge [sflag:s17], $0x2000  }
0x27: {  	[sflag:s17] =	ssyncset.done $0x0  }
0x28: {  	s9 =	rddreg [dreg:$0x6];
	[sflag:s17] =	ssyncadd.s32 $0xFFFFE000  }
0x29: {  	[spmem:s9] =	stream.linear.scatter [tilespmem:s18], [sflag:$0x9], $0x2000, $0x38;
	[tilespmem:$0x1FE20] =	vst v63  }
0x2a: {  	_ =	swait.ge [sflag:s17], $0x2000  }
0x2b: {  	[sflag:s17] =	ssyncset.done $0x0  }
0x2c: {  	s8 =	rddreg [dreg:$0x7];
	[sflag:s17] =	ssyncadd.s32 $0xFFFFE000  }
0x2d: {  	[spmem:s8] =	stream.linear.scatter [tilespmem:s18], [sflag:$0x9], $0x2000, $0x38;
	[tilespmem:$0x1FE20] =	vst v63  }
0x2e: {  	_ =	swait.ge [sflag:s17], $0x2000  }
0x2f: {  	[sflag:s17] =	ssyncset.done $0x0  }
0x30: {  	[sflag:s17] =	ssyncadd.s32 $0xFFFFE000  }
0x31: {  	[spmem:s10] =	stream.linear.scatter [tilespmem:s18], [sflag:$0x9], $0x2000, $0x38;
	[tilespmem:$0x1FE20] =	vst v63  }
0x32: {  	_ =	swait.ge [sflag:s17], $0x2000  }
0x33: {  	[sflag:s17] =	ssyncset.done $0x0  }
0x34: {  	[sflag:s17] =	ssyncadd.s32 $0xFFFFE000  }
0x35: {  	[spmem:s11] =	stream.linear.scatter [tilespmem:s18], [sflag:$0x9], $0x2000, $0x38;
	[tilespmem:$0x1FE20] =	vst v63  }
0x36: {  	_ =	swait.ge [sflag:s17], $0x2000  }
0x37: {  	[sflag:s17] =	ssyncset.done $0x0  }
0x38: {  	[sflag:s17] =	ssyncadd.s32 $0xFFFFE000  }
0x39: {  	s9 =	simm.s32 $0x0;
	[bflag:$0x0] =	sbarrier.arrive $0xFFFF  }
0x3a: {  	[tilespmem:s9], [sflag:$0x9] =	stream.linear.gather [hbm4b:s12+s9], $0x2710, $0x38;
	[tilespmem:$0x1FE20] =	vst v63  }
0x3b: {  	_ =	swait.ge [sflag:s17], $0x2710  }
0x3c: {  	[sflag:s17] =	ssyncset.done $0x0  }
0x3d: {  	[sflag:s17] =	ssyncadd.s32 $0xFFFFD8F0  }
0x3e: {  	[tilespmem:s19], [sflag:$0x9] =	stream.linear.gather [hbm4b:s13+s9], $0x2710, $0x38;
	[tilespmem:$0x1FE20] =	vst v63  }
0x3f: {  	_ =	swait.ge [sflag:s17], $0x2710  }
0x40: {  	[sflag:s17] =	ssyncset.done $0x0  }
0x41: {  	[sflag:s17] =	ssyncadd.s32 $0xFFFFD8F0  }
0x42: {  	[tilespmem:s21], [sflag:$0x1] =	stream.indirect.gather [spmem:s1], $0x40, s9, s20, $0xb8;
	[tilespmem:$0x1FE20] =	vst v63  }
0x43: {  	_ = 	snop  }
0x44: {  	[tilespmem:s22], [sflag:$0x2] =	stream.indirect.gather [spmem:s1], $0x40, s20, s20, $0xb8;
	[tilespmem:$0x1FE20] =	vst v63  }
0x45: {  	s8 =	simm.s32 $0xA0  }
0x46: {  	[tilespmem:s24], [sflag:$0x3] =	stream.indirect.gather [spmem:s1], $0x40, s8, s20, $0xb8;
	[tilespmem:$0x1FE20] =	vst v63  }
0x47: {  	_ =	swait.ge [sflag:s25], $0x1400  }
0x48: {  	[sflag:s25] =	ssyncset.done $0x0  }
0x49: {  	[sflag:s25] =	ssyncadd.s32 $0xFFFFEC00  }
0x4a: {  	[spmem:s3] =	stream.indirect.scatter.add.f32 [tilespmem:s21], [sflag:$0x5], $0x40, s19, s20, $0xb8;
	[tilespmem:$0x1FE20] =	vst v63  }
0x4b: {  	s9 =	simm.s32 $0xF0  }
0x4c: {  	[tilespmem:s28], [sflag:$0x4] =	stream.indirect.gather [spmem:s1], $0x40, s9, s20, $0xb8;
	[tilespmem:$0x1FE20] =	vst v63  }
0x4d: {  	_ =	swait.ge [sflag:s29], $0x1400  }
0x4e: {  	[sflag:s29] =	ssyncset.done $0x0  }
0x4f: {  	s8 =	simm.s32 $0x2760;
	[sflag:s29] =	ssyncadd.s32 $0xFFFFEC00  }
0x50: {  	[spmem:s3] =	stream.indirect.scatter.add.f32 [tilespmem:s22], [sflag:$0x6], $0x40, s8, s20, $0xb8;
	[tilespmem:$0x1FE20] =	vst v63  }
0x51: {  	_ =	swait.ge [sflag:s31], $0x1400  }
0x52: {  	[sflag:s31] =	ssyncset.done $0x0  }
0x53: {  	s9 =	simm.s32 $0x140;
	[sflag:s31] =	ssyncadd.s32 $0xFFFFEC00  }
0x54: {  	[tilespmem:s21], [sflag:$0x1] =	stream.indirect.gather [spmem:s1], $0x40, s9, s20, $0xb8;
	[tilespmem:$0x1FE20] =	vst v63  }
0x55: {  	_ =	swait.ge [sflag:s2], $0x1400  }
0x56: {  	[sflag:s2] =	ssyncset.done $0x0  }
0x57: {  	s8 =	simm.s32 $0x27B0;
	[sflag:s2] =	ssyncadd.s32 $0xFFFFEC00  }
0x58: {  	[spmem:s3] =	stream.indirect.scatter.add.f32 [tilespmem:s24], [sflag:$0x7], $0x40, s8, s20, $0xb8;
	[tilespmem:$0x1FE20] =	vst v63  }
0x59: {  	_ =	swait.ge [sflag:s26], $0x1400  }
0x5a: {  	[sflag:s26] =	ssyncset.done $0x0  }
0x5b: {  	s9 =	simm.s32 $0x190;
	[sflag:s26] =	ssyncadd.s32 $0xFFFFEC00  }
0x5c: {  	[tilespmem:s22], [sflag:$0x2] =	stream.indirect.gather [spmem:s1], $0x40, s9, s20, $0xb8;
	[tilespmem:$0x1FE20] =	vst v63  }
0x5d: {  	_ =	swait.ge [sflag:s0], $0x1400  }
0x5e: {  	[sflag:s0] =	ssyncset.done $0x0  }
0x5f: {  	s8 =	simm.s32 $0x2800;
	[sflag:s0] =	ssyncadd.s32 $0xFFFFEC00  }
0x60: {  	[spmem:s3] =	stream.indirect.scatter.add.f32 [tilespmem:s28], [sflag:$0x8], $0x40, s8, s20, $0xb8;
	[tilespmem:$0x1FE20] =	vst v63  }
0x61: {  	_ =	swait.ge [sflag:s30], $0x1400  }
0x62: {  	[sflag:s30] =	ssyncset.done $0x0  }
0x63: {  	s9 =	simm.s32 $0x1E0;
	[sflag:s30] =	ssyncadd.s32 $0xFFFFEC00  }
0x64: {  	[tilespmem:s24], [sflag:$0x3] =	stream.indirect.gather [spmem:s1], $0x40, s9, s20, $0xb8;
	[tilespmem:$0x1FE20] =	vst v63  }
0x65: {  	_ =	swait.ge [sflag:s25], $0x1400  }
0x66: {  	[sflag:s25] =	ssyncset.done $0x0  }
0x67: {  	s8 =	simm.s32 $0x2850;
	[sflag:s25] =	ssyncadd.s32 $0xFFFFEC00  }
0x68: {  	[spmem:s3] =	stream.indirect.scatter.add.f32 [tilespmem:s21], [sflag:$0x5], $0x40, s8, s20, $0xb8;
	[tilespmem:$0x1FE20] =	vst v63  }
0x69: {  	_ =	swait.ge [sflag:s23], $0x1400  }
0x6a: {  	[sflag:s23] =	ssyncset.done $0x0  }
0x6b: {  	s9 =	simm.s32 $0x230;
	[sflag:s23] =	ssyncadd.s32 $0xFFFFEC00  }
0x6c: {  	[tilespmem:s28], [sflag:$0x4] =	stream.indirect.gather [spmem:s1], $0x40, s9, s20, $0xb8;
	[tilespmem:$0x1FE20] =	vst v63  }
0x6d: {  	_ =	swait.ge [sflag:s29], $0x1400  }
0x6e: {  	[sflag:s29] =	ssyncset.done $0x0  }
0x6f: {  	s8 =	simm.s32 $0x28A0;
	[sflag:s29] =	ssyncadd.s32 $0xFFFFEC00  }
0x70: {  	[spmem:s3] =	stream.indirect.scatter.add.f32 [tilespmem:s22], [sflag:$0x6], $0x40, s8, s20, $0xb8;
	[tilespmem:$0x1FE20] =	vst v63  }
0x71: {  	_ =	swait.ge [sflag:s31], $0x1400  }
0x72: {  	[sflag:s31] =	ssyncset.done $0x0  }
0x73: {  	s9 =	simm.s32 $0x280;
	[sflag:s31] =	ssyncadd.s32 $0xFFFFEC00  }
0x74: {  	[tilespmem:s21], [sflag:$0x1] =	stream.indirect.gather [spmem:s1], $0x40, s9, s20, $0xb8;
	[tilespmem:$0x1FE20] =	vst v63  }
0x75: {  	_ =	swait.ge [sflag:s2], $0x1400  }
0x76: {  	[sflag:s2] =	ssyncset.done $0x0  }
0x77: {  	s8 =	simm.s32 $0x28F0;
	[sflag:s2] =	ssyncadd.s32 $0xFFFFEC00  }
0x78: {  	[spmem:s3] =	stream.indirect.scatter.add.f32 [tilespmem:s24], [sflag:$0x7], $0x40, s8, s20, $0xb8;
	[tilespmem:$0x1FE20] =	vst v63  }
0x79: {  	_ =	swait.ge [sflag:s26], $0x1400  }
0x7a: {  	[sflag:s26] =	ssyncset.done $0x0  }
0x7b: {  	s9 =	simm.s32 $0x2D0;
	[sflag:s26] =	ssyncadd.s32 $0xFFFFEC00  }
0x7c: {  	[tilespmem:s22], [sflag:$0x2] =	stream.indirect.gather [spmem:s1], $0x40, s9, s20, $0xb8;
	[tilespmem:$0x1FE20] =	vst v63  }
0x7d: {  	_ =	swait.ge [sflag:s0], $0x1400  }
0x7e: {  	[sflag:s0] =	ssyncset.done $0x0  }
0x7f: {  	s5 =	simm.s32 $0x500;
	s8 =	simm.s32 $0x2940;
	[sflag:s0] =	ssyncadd.s32 $0xFFFFEC00  }
.LBB2_4:
0x80: {  	[spmem:s3] =	stream.indirect.scatter.add.f32 [tilespmem:s28], [sflag:$0x8], $0x40, s8, s20, $0xb8;
	[tilespmem:$0x1FE20] =	vst v63  }
0x81: {  	s8 =	smov.u32 s5  }
0x82: {  	p0 =	sne.s32 s5, $0x8C00;
	s5 =	sadd.s32 $0x500, s5;
	_ =	swait.ge [sflag:s30], $0x1400  }
0x83: {  	s8 =	sshra.s32 s8, $0x2;
	[sflag:s30] =	ssyncset.done $0x0  }
0x84: {  	s9 =	sadd.s32 $0x1E0, s8;
	[sflag:s30] =	ssyncadd.s32 $0xFFFFEC00  }
0x85: {  	[tilespmem:s24], [sflag:$0x3] =	stream.indirect.gather [spmem:s1], $0x40, s9, s20, $0xb8;
	[tilespmem:$0x1FE20] =	vst v63  }
0x86: {  	_ =	swait.ge [sflag:s25], $0x1400  }
0x87: {  	[sflag:s25] =	ssyncset.done $0x0  }
0x88: {  	s9 =	sadd.s32 $0x2850, s8;
	[sflag:s25] =	ssyncadd.s32 $0xFFFFEC00  }
0x89: {  	[spmem:s3] =	stream.indirect.scatter.add.f32 [tilespmem:s21], [sflag:$0x5], $0x40, s9, s20, $0xb8;
	[tilespmem:$0x1FE20] =	vst v63  }
0x8a: {  	_ =	swait.ge [sflag:s23], $0x1400  }
0x8b: {  	[sflag:s23] =	ssyncset.done $0x0  }
0x8c: {  	s9 =	sadd.s32 $0x230, s8;
	[sflag:s23] =	ssyncadd.s32 $0xFFFFEC00  }
0x8d: {  	[tilespmem:s28], [sflag:$0x4] =	stream.indirect.gather [spmem:s1], $0x40, s9, s20, $0xb8;
	[tilespmem:$0x1FE20] =	vst v63  }
0x8e: {  	_ =	swait.ge [sflag:s29], $0x1400  }
0x8f: {  	[sflag:s29] =	ssyncset.done $0x0  }
0x90: {  	s9 =	sadd.s32 $0x28A0, s8;
	[sflag:s29] =	ssyncadd.s32 $0xFFFFEC00  }
0x91: {  	[spmem:s3] =	stream.indirect.scatter.add.f32 [tilespmem:s22], [sflag:$0x6], $0x40, s9, s20, $0xb8;
	[tilespmem:$0x1FE20] =	vst v63  }
0x92: {  	_ =	swait.ge [sflag:s31], $0x1400  }
0x93: {  	[sflag:s31] =	ssyncset.done $0x0  }
0x94: {  	s9 =	sadd.s32 $0x280, s8;
	[sflag:s31] =	ssyncadd.s32 $0xFFFFEC00  }
0x95: {  	[tilespmem:s21], [sflag:$0x1] =	stream.indirect.gather [spmem:s1], $0x40, s9, s20, $0xb8;
	[tilespmem:$0x1FE20] =	vst v63  }
0x96: {  	_ =	swait.ge [sflag:s2], $0x1400  }
0x97: {  	[sflag:s2] =	ssyncset.done $0x0  }
0x98: {  	s9 =	sadd.s32 $0x28F0, s8;
	[sflag:s2] =	ssyncadd.s32 $0xFFFFEC00  }
0x99: {  	[spmem:s3] =	stream.indirect.scatter.add.f32 [tilespmem:s24], [sflag:$0x7], $0x40, s9, s20, $0xb8;
	[tilespmem:$0x1FE20] =	vst v63  }
0x9a: {  	_ =	swait.ge [sflag:s26], $0x1400  }
0x9b: {  	[sflag:s26] =	ssyncset.done $0x0  }
.Ltmp1:
0x9c: {  	s9 =	sadd.s32 $0x2D0, s8;
	[sflag:s26] =	ssyncadd.s32 $0xFFFFEC00;
	(pc) =	sbr.rel @p0 .LBB2_4-.Ltmp1, $4  }
0x9d: {  	[tilespmem:s22], [sflag:$0x2] =	stream.indirect.gather [spmem:s1], $0x40, s9, s20, $0xb8;
	[tilespmem:$0x1FE20] =	vst v63  }
0x9e: {  	_ =	swait.ge [sflag:s0], $0x1400  }
0x9f: {  	[sflag:s0] =	ssyncset.done $0x0  }
0xa0: {  	s8 =	sadd.s32 $0x2940, s8;
	[sflag:s0] =	ssyncadd.s32 $0xFFFFEC00  }
0xa1: {  	[spmem:s3] =	stream.indirect.scatter.add.f32 [tilespmem:s28], [sflag:$0x8], $0x40, s8, s20, $0xb8;
	[tilespmem:$0x1FE20] =	vst v63  }
0xa2: {  	_ =	swait.ge [sflag:s30], $0x1400  }
0xa3: {  	[sflag:s30] =	ssyncset.done $0x0  }
0xa4: {  	s5 =	simm.s32 $0x2620;
	[sflag:s30] =	ssyncadd.s32 $0xFFFFEC00  }
0xa5: {  	[tilespmem:s24], [sflag:$0x3] =	stream.indirect.gather [spmem:s1], $0x40, s5, s20, $0xb8;
	[tilespmem:$0x1FE20] =	vst v63  }
0xa6: {  	_ =	swait.ge [sflag:s25], $0x1400  }
0xa7: {  	[sflag:s25] =	ssyncset.done $0x0  }
0xa8: {  	s8 =	simm.s32 $0x4C90;
	[sflag:s25] =	ssyncadd.s32 $0xFFFFEC00  }
0xa9: {  	[spmem:s3] =	stream.indirect.scatter.add.f32 [tilespmem:s21], [sflag:$0x5], $0x40, s8, s20, $0xb8;
	[tilespmem:$0x1FE20] =	vst v63  }
0xaa: {  	_ =	swait.ge [sflag:s23], $0x1400  }
0xab: {  	[sflag:s23] =	ssyncset.done $0x0  }
0xac: {  	s9 =	simm.s32 $0x2670;
	[sflag:s23] =	ssyncadd.s32 $0xFFFFEC00  }
0xad: {  	[tilespmem:s28], [sflag:$0x4] =	stream.indirect.gather [spmem:s1], $0x40, s9, s20, $0xb8;
	[tilespmem:$0x1FE20] =	vst v63  }
0xae: {  	_ =	swait.ge [sflag:s29], $0x1400  }
0xaf: {  	[sflag:s29] =	ssyncset.done $0x0  }
0xb0: {  	s8 =	simm.s32 $0x4CE0;
	[sflag:s29] =	ssyncadd.s32 $0xFFFFEC00  }
0xb1: {  	[spmem:s3] =	stream.indirect.scatter.add.f32 [tilespmem:s22], [sflag:$0x6], $0x40, s8, s20, $0xb8;
	[tilespmem:$0x1FE20] =	vst v63  }
0xb2: {  	_ =	swait.ge [sflag:s31], $0x1400  }
0xb3: {  	[sflag:s31] =	ssyncset.done $0x0  }
0xb4: {  	s9 =	simm.s32 $0x26C0;
	[sflag:s31] =	ssyncadd.s32 $0xFFFFEC00  }
0xb5: {  	[tilespmem:s21], [sflag:$0x1] =	stream.indirect.gather [spmem:s1], $0x40, s9, s20, $0xb8;
	[tilespmem:$0x1FE20] =	vst v63  }
0xb6: {  	_ =	swait.ge [sflag:s2], $0x1400  }
0xb7: {  	[sflag:s2] =	ssyncset.done $0x0  }
0xb8: {  	s8 =	simm.s32 $0x4D30;
	[sflag:s2] =	ssyncadd.s32 $0xFFFFEC00  }
0xb9: {  	[spmem:s3] =	stream.indirect.scatter.add.f32 [tilespmem:s24], [sflag:$0x7], $0x40, s8, s20, $0xb8;
	[tilespmem:$0x1FE20] =	vst v63  }
0xba: {  	_ =	swait.ge [sflag:s26], $0x1400  }
0xbb: {  	[sflag:s26] =	ssyncset.done $0x0  }
0xbc: {  	[sflag:s26] =	ssyncadd.s32 $0xFFFFEC00  }
0xbd: {  	_ =	swait.ge [sflag:s0], $0x1400  }
0xbe: {  	[sflag:s0] =	ssyncset.done $0x0  }
0xbf: {  	s9 =	simm.s32 $0x4D80;
	[sflag:s0] =	ssyncadd.s32 $0xFFFFEC00  }
0xc0: {  	[spmem:s3] =	stream.indirect.scatter.add.f32 [tilespmem:s28], [sflag:$0x8], $0x40, s9, s20, $0xb8;
	[tilespmem:$0x1FE20] =	vst v63  }
0xc1: {  	_ =	swait.ge [sflag:s30], $0x1400  }
0xc2: {  	[sflag:s30] =	ssyncset.done $0x0  }
0xc3: {  	[sflag:s30] =	ssyncadd.s32 $0xFFFFEC00  }
0xc4: {  	_ =	swait.ge [sflag:s25], $0x1400  }
0xc5: {  	[sflag:s25] =	ssyncset.done $0x0  }
0xc6: {  	s8 =	simm.s32 $0x4DD0;
	[sflag:s25] =	ssyncadd.s32 $0xFFFFEC00  }
0xc7: {  	[spmem:s3] =	stream.indirect.scatter.add.f32 [tilespmem:s21], [sflag:$0x5], $0x40, s8, s20, $0xb8;
	[tilespmem:$0x1FE20] =	vst v63  }
0xc8: {  	_ =	swait.ge [sflag:s23], $0x1400  }
0xc9: {  	[sflag:s23] =	ssyncset.done $0x0  }
0xca: {  	[sflag:s23] =	ssyncadd.s32 $0xFFFFEC00  }
0xcb: {  	_ =	swait.ge [sflag:s31], $0x1400  }
0xcc: {  	s4 =	sadd.s32 $0x1, s4;
	[sflag:s31] =	ssyncset.done $0x0  }
0xcd: {  	p0 =	sne.s32 s4, s15;
	[sflag:s31] =	ssyncadd.s32 $0xFFFFEC00  }
.Ltmp2:
0xce: {  	s9 =	sshrl.u32 s7, $0x3;
	[bflag:$0x0] =	sbarrier.arrive $0xFFFF;
	(pc) =	sbr.rel @p0 .LBB2_1-.Ltmp2, $4  }
0xcf: {  	[hbm:s14], [sflag:s6] =	dma.local [spmem:s9], $0x1400  }
0xd0: {  	_ =	swait.ge [sflag:s17], $0x1400  }
0xd1: {  	[sflag:s17] =	ssyncset.done $0x0  }
0xd2: {  	[sflag:s17] =	ssyncadd.s32 $0xFFFFEC00  }
0xd3: {  	_ =	sfence.sel $0x180000  }
0xd4: {  	[bflag:$0x0] =	sbarrier.arrive $0xFFFF  }
0xd5: {  	_ =	strace $0x90000047  }
0xd6: {  	s0 =	stileid.u32;
	[bflag:$0x2] =	sbarrier.arrive $0xFFFF  }
0xd7: {  	p0 =	sne.s32 s0, $0x0;
	s0 =	rddreg [dreg:$0x4]  }
0xd8: {  	s0 =	sadd.s32 @!p0 $0x100000, s0  }
0xd9: {  	[sflag:s0] =	ssyncadd.tile.s32 @!p0 $0x1;
	_ =	shalt  }
.Lfunc_end2:
_tile_overlayer_lowered:
.L_overlay_start_2:
0xda: {  	(tag) =	ssettag $0x2  }
0xdb: {  	s0 =	rddreg [dreg:$0x0];
	s2 =	stileid.u32  }
0xdc: {  	s1 =	rddreg [dreg:$0x1];
	p0 =	sne.s32 s2, $0x0  }
0xdd: {  	s3 =	rddreg [dreg:$0x2];
	[bflag:$0x3] =	sbarrier.arrive $0xFFFF;
	s2 =	simm.s32 @!p0 $0x1C09  }
0xde: {  	[timem:s3], [sflag:s2] =	dma.local @!p0 [hbm:s0], s1  }
0xdf: {  	s0 =	simm.s32 @!p0 $0x9  }
0xe0: {  	_ =	swait.ge @!p0 [sflag:s0], s1  }
0xe1: {  	s1 =	ssub.s32 @!p0 $0x0, s1;
	[sflag:s0] =	ssyncset.done @!p0 $0x0  }
0xe2: {  	[sflag:s0] =	ssyncadd.s32 @!p0 s1  }
0xe3: {  	[bflag:$0x3] =	sbarrier.arrive $0xFFFF  }
0xe4: {  	_ =	shalt  }

</sc_bundles>
